<compile_context>
chip_gen: v7x
topology: tpu7x:2x2x1
jax: 0.10.2.dev20260603
libtpu: 0.0.44.dev20260713+nightly
codegen_flags: <defaults>
</compile_context>

<pallas_src>
import functools

import jax
import jax.numpy as jnp
from jax import lax
from jax.experimental import pallas as pl
from jax.experimental.pallas import tpu as pltpu
from jax.experimental.pallas import tpu_sc as plsc

N = 10000
E = 320000
R = 8
D_IN = 128
H = 16
C = 40

NC = 2
NS = 16
NW = NC * NS
CB = 256
EBLK = E // CB
CPW = EBLK // NW
NEXTRA = EBLK - CPW * NW
SA = 10048
ROWS = R * SA
TPW = ROWS // NS
PK = ROWS // 8
PKR = SA // 8
PN = N * H // 128
CR = ROWS // 128
EB = E // 128
NBUF = 3

_MESH = plsc.VectorSubcoreMesh(core_axis_name="c", subcore_axis_name="s",
                               num_cores=NC, num_subcores=NS)



def _make_edge_pass(with_counts, stage_table=False):
    out_type = [jax.ShapeDtypeStruct((NC, ROWS, H), jnp.float32)]
    scratch = [
        pltpu.VMEM((CPW, CB), jnp.int32),
        pltpu.VMEM((CPW, CB), jnp.int32),
        pltpu.VMEM((1, CB), jnp.int32),
        pltpu.VMEM((1, CB), jnp.int32),
        pltpu.VMEM((CB, H), jnp.float32),
        pltpu.VMEM((CB, H), jnp.float32),
        pltpu.VMEM((CB, H), jnp.float32),
        pltpu.VMEM_SHARED((ROWS, H), jnp.float32),
    ] + [pltpu.SemaphoreType.DMA] * (2 * NBUF)
    if stage_table:
        scratch.append(pltpu.VMEM_SHARED((N, H), jnp.float32))
    if with_counts:
        out_type.append(jax.ShapeDtypeStruct((NC * ROWS,), jnp.float32))
        scratch += [
            pltpu.VMEM((CB,), jnp.float32),
            pltpu.VMEM_SHARED((ROWS,), jnp.float32),
            pltpu.SemaphoreType.DMA,
        ]

    def body(*refs):
        if with_counts:
            (tab_hbm, gsrc_hbm, gdst_hbm, zrows_hbm, zcnt_hbm,
             out_sum, out_cnt,
             gsrc_v, gdst_v, exg_v, exd_v, r0, r1, r2, sums_sh,
             sg0, sg1, sg2, ss0, ss1, ss2,
             ones_v, cnt_sh, csem) = refs
        else:
            (tab_hbm, gsrc_hbm, gdst_hbm, zrows_hbm,
             out_sum,
             gsrc_v, gdst_v, exg_v, exd_v, r0, r1, r2, sums_sh,
             sg0, sg1, sg2, ss0, ss1, ss2, tab_sh) = refs
        c = lax.axis_index("c")
        s = lax.axis_index("s")
        w = c * NS + s
        bufs = (r0, r1, r2)
        gsems = (sg0, sg1, sg2)
        ssems = (ss0, ss1, ss2)

        pltpu.sync_copy(zrows_hbm, sums_sh.at[pl.ds(s * TPW, TPW)])
        if stage_table:
            pltpu.sync_copy(tab_hbm.at[pl.ds(s * (N // NS), N // NS)],
                            tab_sh.at[pl.ds(s * (N // NS), N // NS)])
        tab = tab_sh if stage_table else tab_hbm
        if with_counts:
            pltpu.sync_copy(zcnt_hbm, cnt_sh.at[pl.ds(s * TPW, TPW)])
            v16 = jnp.full((16,), 1.0, jnp.float32)
            for i in range(CB // 16):
                ones_v[pl.ds(i * 16, 16)] = v16
        plsc.subcore_barrier()

        pltpu.sync_copy(gsrc_hbm.at[pl.ds(CPW * w, CPW)], gsrc_v)
        pltpu.sync_copy(gdst_hbm.at[pl.ds(CPW * w, CPW)], gdst_v)

        for b in range(NBUF):
            pltpu.async_copy(tab.at[gsrc_v.at[b]], bufs[b], gsems[b])

        def stage(jj, carry):
            j0 = jj * NBUF
            for b in range(NBUF):
                j = j0 + b
                pltpu.make_async_copy(tab.at[gsrc_v.at[j]], bufs[b],
                                      gsems[b]).wait()
                pltpu.async_copy(bufs[b], sums_sh.at[gdst_v.at[j]], ssems[b],
                                 add=True)
                if with_counts:
                    pltpu.async_copy(ones_v, cnt_sh.at[gdst_v.at[j]], csem,
                                     add=True)
            for b in range(NBUF):
                j = j0 + b
                pltpu.make_async_copy(bufs[b], sums_sh.at[gdst_v.at[j]],
                                      ssems[b]).wait()

                @pl.when(j + NBUF < CPW)
                def _():
                    pltpu.async_copy(tab.at[gsrc_v.at[j + NBUF]], bufs[b],
                                     gsems[b])
            if with_counts:
                for b in range(NBUF):
                    pltpu.make_async_copy(ones_v,
                                          cnt_sh.at[gdst_v.at[j0 + b]],
                                          csem).wait()
            return carry

        lax.fori_loop(0, CPW // NBUF, stage, 0)

        @pl.when(w < NEXTRA)
        def _():
            pltpu.sync_copy(gsrc_hbm.at[pl.ds(CPW * NW + w, 1)], exg_v)
            pltpu.sync_copy(gdst_hbm.at[pl.ds(CPW * NW + w, 1)], exd_v)
            pltpu.sync_copy(tab.at[exg_v.at[0]], r0)
            pltpu.sync_copy(r0, sums_sh.at[exd_v.at[0]], add=True)
            if with_counts:
                pltpu.sync_copy(ones_v, cnt_sh.at[exd_v.at[0]], add=True)

        plsc.subcore_barrier()

        pltpu.sync_copy(sums_sh.at[pl.ds(s * TPW, TPW)],
                        out_sum.at[c, pl.ds(s * TPW, TPW)])
        if with_counts:
            pltpu.sync_copy(cnt_sh.at[pl.ds(s * TPW, TPW)],
                            out_cnt.at[pl.ds(c * ROWS + s * TPW, TPW)])

    return pl.kernel(
        body,
        out_type=tuple(out_type) if with_counts else out_type[0],
        mesh=_MESH,
        compiler_params=pltpu.CompilerParams(use_tc_tiling_on_sc=False),
        scratch_types=scratch,
    )


_pass1_call = _make_edge_pass(with_counts=True)
_pass2_call = _make_edge_pass(with_counts=False, stage_table=True)



def _prep_body(src_ref, dst_ref, att_ref, x_ref, w_ref,
               gsrc_ref, gdst_ref, xw_ref):
    att = att_ref[...]
    gsrc_ref[...] = src_ref[...] * 8 + att
    gdst_ref[...] = att * SA + dst_ref[...]
    xw_ref[...] = jnp.dot(x_ref[...], w_ref[...],
                          preferred_element_type=jnp.float32)


_prep_call = pl.pallas_call(
    _prep_body,
    out_shape=(jax.ShapeDtypeStruct((EB, 128), jnp.int32),
               jax.ShapeDtypeStruct((EB, 128), jnp.int32),
               jax.ShapeDtypeStruct((N, D_IN), jnp.float32)),
)


def _comb1_body(ps_ref, pc_ref, m_ref, rcnt_ref, ms_ref):
    rc128 = 1.0 / jnp.maximum(pc_ref[0] + pc_ref[1], 1.0)
    pieces = [jnp.dot(rc128, m_ref[t], preferred_element_type=jnp.float32)
              for t in range(16)]
    rc = jnp.stack(pieces, axis=1).reshape(PK, 128)
    rcnt_ref[...] = rc
    s = (ps_ref[0] + ps_ref[1]) * rc
    acc = s[0:PKR]
    for r in range(1, R):
        acc = acc + s[r * PKR:(r + 1) * PKR]
    ms_ref[...] = acc


_comb1_call = pl.pallas_call(
    _comb1_body,
    out_shape=(jax.ShapeDtypeStruct((PK, 128), jnp.float32),
               jax.ShapeDtypeStruct((PKR, 128), jnp.float32)),
    compiler_params=pltpu.CompilerParams(vmem_limit_bytes=60 * 1024 * 1024),
)


def _midb_body(ms_ref, xp_ref, kr_ref, g_ref, be_ref, f_ref, ft_ref, h_ref):
    hpre = ms_ref[0:PN] + jnp.dot(xp_ref[...], kr_ref[...],
                                  preferred_element_type=jnp.float32)
    s1 = jnp.sum(hpre, axis=0, keepdims=True)
    s2 = jnp.sum(hpre * hpre, axis=0, keepdims=True)
    mu = jnp.dot(s1, f_ref[...]) * (1.0 / N)
    var = jnp.dot(s2, f_ref[...]) * (1.0 / N) - mu * mu
    scale = g_ref[...] * lax.rsqrt(var + 1e-5)
    shift = be_ref[...] - mu * scale
    hn = hpre * jnp.dot(scale, ft_ref[...]) + jnp.dot(shift, ft_ref[...])
    h_ref[...] = jnp.maximum(hn, 0.0)


_midb_call = pl.pallas_call(
    _midb_body,
    out_shape=jax.ShapeDtypeStruct((PN, 128), jnp.float32),
    compiler_params=pltpu.CompilerParams(vmem_limit_bytes=60 * 1024 * 1024),
)


def _out_body(pa_ref, rc_ref, hp_ref, k_ref, kr_ref, g_ref, be_ref,
              f40_ref, f40t_ref, fs_ref, es_ref, o_ref):
    m = (pa_ref[0] + pa_ref[1]) * rc_ref[...]
    acc = jnp.dot(hp_ref[...], kr_ref[...],
                  preferred_element_type=jnp.float32)
    for r in range(R):
        acc = acc + jnp.dot(m[r * PKR:r * PKR + PN], k_ref[r],
                            preferred_element_type=jnp.float32)
    s1 = jnp.sum(acc, axis=0, keepdims=True)
    s2 = jnp.sum(acc * acc, axis=0, keepdims=True)
    mu = jnp.dot(s1, f40_ref[...]) * (1.0 / N)
    var = jnp.dot(s2, f40_ref[...]) * (1.0 / N) - mu * mu
    scale = g_ref[...] * lax.rsqrt(var + 1e-5)
    shift = be_ref[...] - mu * scale
    o = acc * jnp.dot(scale, f40t_ref[...]) + jnp.dot(shift, f40t_ref[...])
    o = jnp.maximum(o, 0.0)
    lse = jnp.log(jnp.dot(jnp.exp(o), fs_ref[...]))
    o_ref[...] = o - jnp.dot(lse, es_ref[...])


_out_call = pl.pallas_call(
    _out_body,
    out_shape=jax.ShapeDtypeStruct((PN, 8 * C), jnp.float32),
    compiler_params=pltpu.CompilerParams(vmem_limit_bytes=60 * 1024 * 1024),
)



def _block_diag8(w):
    k, m = w.shape
    a = jnp.arange(8)
    out = jnp.zeros((8, k, 8, m), w.dtype).at[a, :, a, :].set(
        jnp.broadcast_to(w, (8, k, m)))
    return out.reshape(8 * k, 8 * m)


def kernel(x, edge_index, edge_attr, W1, W1_root, b1, gamma1, beta1,
           W2, W2_root, b2, gamma2, beta2):
    del b1, b2
    src = edge_index[0]
    dst = edge_index[1]

    w1cat = jnp.transpose(W1, (1, 0, 2)).reshape(D_IN, R * H)
    gsrc, gdst, xw = _prep_call(src.reshape(EB, 128), dst.reshape(EB, 128),
                                edge_attr.reshape(EB, 128), x, w1cat)
    gsrc_c = gsrc.reshape(EBLK, CB)
    gdst_c = gdst.reshape(EBLK, CB)
    src_c = src.reshape(EBLK, CB)

    zrows0 = jnp.zeros((TPW, H), jnp.float32)
    zcnt0 = jnp.zeros((TPW,), jnp.float32)
    t_i = jnp.arange(16)[:, None, None]
    a_i = jnp.arange(8)[None, :, None]
    b_i = jnp.arange(16)[None, None, :]
    msel = jnp.zeros((16, 128, 128), jnp.float32).at[
        t_i, 8 * t_i + a_i, 16 * a_i + b_i].set(1.0)
    fold16 = jnp.tile(jnp.eye(H, dtype=jnp.float32), (8, 1))
    fold40 = jnp.tile(jnp.eye(C, dtype=jnp.float32), (8, 1))
    fsum = jnp.repeat(jnp.eye(8, dtype=jnp.float32), C, axis=0)

    psum, cnt1d = _pass1_call(xw.reshape(R * N, H), gsrc_c, gdst_c,
                              zrows0, zcnt0)
    rcnt, msum = _comb1_call(psum.reshape(NC, PK, 128),
                             cnt1d.reshape(NC, CR, 128), msel)
    h = _midb_call(msum, x.reshape(PN, 8 * D_IN), _block_diag8(W1_root),
                   gamma1, beta1, fold16, fold16.T)

    pagg = _pass2_call(h.reshape(N, H), src_c, gdst_c, zrows0)

    w2k = jnp.stack([_block_diag8(W2[r]) for r in range(R)])
    w2kroot = _block_diag8(W2_root)
    q = _out_call(pagg.reshape(NC, PK, 128), rcnt, h, w2k, w2kroot,
                  gamma2, beta2, fold40, fold40.T, fsum, fsum.T)
    return q.reshape(N, C)

# --- scband reference (transcript-rebuilt; emitter-appended) ---
"""Pipeline reference for scband-rgcn-node-49727131353506 (READ-ONLY COPY).

The authoritative reference and input builder live on the scoring server;
editing this copy changes nothing except your own understanding.
"""

import jax, jax.numpy as jnp
import numpy as np

N = 10000
E = 320000
R = 8
D_IN = 128
H = 16
C = 40


def setup_inputs(seed: int = 0) -> dict:
    key = jax.random.key(seed)
    ks = jax.random.split(key, 16)
    x = jax.random.normal(ks[0], (N, D_IN), dtype=jnp.float32)
    edge_index = jax.random.randint(ks[1], (2, E), 0, N, dtype=jnp.int32)
    edge_attr = jax.random.randint(ks[2], (E,), 0, R, dtype=jnp.int32)
    W1 = jax.random.normal(ks[3], (R, D_IN, H), dtype=jnp.float32) * (1.0 / np.sqrt(D_IN))
    W1_root = jax.random.normal(ks[4], (D_IN, H), dtype=jnp.float32) * (1.0 / np.sqrt(D_IN))
    b1 = jnp.zeros((H,), dtype=jnp.float32)
    gamma1 = jnp.ones((H,), dtype=jnp.float32)
    beta1 = jnp.zeros((H,), dtype=jnp.float32)
    W2 = jax.random.normal(ks[5], (R, H, C), dtype=jnp.float32) * (1.0 / np.sqrt(H))
    W2_root = jax.random.normal(ks[6], (H, C), dtype=jnp.float32) * (1.0 / np.sqrt(H))
    b2 = jnp.zeros((C,), dtype=jnp.float32)
    gamma2 = jnp.ones((C,), dtype=jnp.float32)
    beta2 = jnp.zeros((C,), dtype=jnp.float32)
    return {"x": x, "edge_index": edge_index, "edge_attr": edge_attr,
            "W1": W1, "W1_root": W1_root, "b1": b1, "gamma1": gamma1, "beta1": beta1,
            "W2": W2, "W2_root": W2_root, "b2": b2, "gamma2": gamma2, "beta2": beta2}


def rgcn_conv(x, edge_index, edge_type, W, W_root, b):
    # PyG RGCNConv: per-relation mean aggregation + root weight + bias
    src = edge_index[0]
    dst = edge_index[1]
    n = x.shape[0]
    d_out = W.shape[2]
    xw = jnp.einsum('nd,rdo->rno', x, W)          # [R, N, d_out]
    msg = xw[edge_type, src]                       # gather per-edge messages [E, d_out]
    sums = jnp.zeros((R, n, d_out), dtype=x.dtype).at[edge_type, dst].add(msg)
    counts = jnp.zeros((R, n), dtype=x.dtype).at[edge_type, dst].add(1.0)
    mean = sums / jnp.maximum(counts, 1.0)[..., None]
    return mean.sum(axis=0) + x @ W_root + b


def batch_norm(h, gamma, beta, eps=1e-5):
    mu = h.mean(axis=0)
    var = h.var(axis=0)
    return (h - mu) / jnp.sqrt(var + eps) * gamma + beta


def reference(x, edge_index, edge_attr, W1, W1_root, b1, gamma1, beta1, W2, W2_root, b2, gamma2, beta2):
    h = rgcn_conv(x, edge_index, edge_attr, W1, W1_root, b1)
    h = batch_norm(h, gamma1, beta1)
    h = jax.nn.relu(h)
    # dropout: identity (eval-mode determinism)
    h = rgcn_conv(h, edge_index, edge_attr, W2, W2_root, b2)
    h = batch_norm(h, gamma2, beta2)
    h = jax.nn.relu(h)
    return jax.nn.log_softmax(h, axis=1)

if __name__ == "__main__":
    import jax
    _d = setup_inputs()
    print(jax.jit(kernel)(*tuple(_d.values())))

</pallas_src>

<mosaic_0001>
#map = affine_map<(d0, d1) -> (0, 0)>
#map1 = affine_map<(d0, d1) -> (0)>
#map2 = affine_map<(d0, d1) -> (0, 0, 0)>
module attributes {stable_mosaic.version = 14 : i64} {
  func.func @body(%arg0: i32, %arg1: i32, %arg2: memref<80000x16xf32, #tpu.memory_space<hbm>>, %arg3: memref<1250x256xi32, #tpu.memory_space<hbm>>, %arg4: memref<1250x256xi32, #tpu.memory_space<hbm>>, %arg5: memref<5024x16xf32, #tpu.memory_space<hbm>>, %arg6: memref<5024xf32, #tpu.memory_space<hbm>>, %arg7: memref<2x80384x16xf32, #tpu.memory_space<hbm>>, %arg8: memref<160768xf32, #tpu.memory_space<hbm>>, %arg9: memref<39x256xi32, #tpu.memory_space<vmem>>, %arg10: memref<39x256xi32, #tpu.memory_space<vmem>>, %arg11: memref<1x256xi32, #tpu.memory_space<vmem>>, %arg12: memref<1x256xi32, #tpu.memory_space<vmem>>, %arg13: memref<256x16xf32, #tpu.memory_space<vmem>>, %arg14: memref<256x16xf32, #tpu.memory_space<vmem>>, %arg15: memref<256x16xf32, #tpu.memory_space<vmem>>, %arg16: memref<80384x16xf32, #tpu.memory_space<vmem_shared>>, %arg17: memref<!tpu.dma_semaphore, #tpu.memory_space<semaphore_mem>>, %arg18: memref<!tpu.dma_semaphore, #tpu.memory_space<semaphore_mem>>, %arg19: memref<!tpu.dma_semaphore, #tpu.memory_space<semaphore_mem>>, %arg20: memref<!tpu.dma_semaphore, #tpu.memory_space<semaphore_mem>>, %arg21: memref<!tpu.dma_semaphore, #tpu.memory_space<semaphore_mem>>, %arg22: memref<!tpu.dma_semaphore, #tpu.memory_space<semaphore_mem>>, %arg23: memref<256xf32, #tpu.memory_space<vmem>>, %arg24: memref<80384xf32, #tpu.memory_space<vmem_shared>>, %arg25: memref<!tpu.dma_semaphore, #tpu.memory_space<semaphore_mem>>) attributes {dimension_semantics = [#tpu.dimension_semantics<core_parallel>, #tpu.dimension_semantics<subcore_parallel>], iteration_bounds = array<i64: 2, 16>, scalar_prefetch = 0 : i64, scratch_operands = 17 : i64, tpu.core_type = #tpu.core_type<sc_vector_subcore>, window_params = [{transform_indices = #map}, {transform_indices = #map}, {transform_indices = #map}, {transform_indices = #map}, {transform_indices = #map1}, {transform_indices = #map2}, {transform_indices = #map1}]} {
    %mul3A = arith.constant 16 : i32
    %mul3A_0 = arith.muli %arg0, %mul3A : i32
    %add3A = arith.addi %mul3A_0, %arg1 : i32
    %mul3A_1 = arith.constant 5024 : i32
    %mul3A_2 = arith.muli %arg1, %mul3A_1 : i32
    "tpu.region"() ({
      %run_scoped3A = tpu.sem_alloc : memref<!tpu.dma_semaphore, #tpu.memory_space<semaphore_mem>>
      %dma_start3A_112 = arith.constant 0 : i32
      %dma_start3A_113 = tpu.memref_slice %arg16[%mul3A_2, %dma_start3A_112] : memref<80384x16xf32, #tpu.memory_space<vmem_shared>> -> memref<5024x16xf32, #tpu.memory_space<vmem_shared>>
      tpu.enqueue_dma source(%arg5 : memref<5024x16xf32, #tpu.memory_space<hbm>>) target(%dma_start3A_113 : memref<5024x16xf32, #tpu.memory_space<vmem_shared>>) target_semaphore(%run_scoped3A : memref<!tpu.dma_semaphore, #tpu.memory_space<semaphore_mem>>)
      %dma_wait3A = arith.constant 0 : i32
      %dma_wait3A_114 = tpu.memref_slice %arg16[%mul3A_2, %dma_wait3A] : memref<80384x16xf32, #tpu.memory_space<vmem_shared>> -> memref<5024x16xf32, #tpu.memory_space<vmem_shared>>
      tpu.wait_dma2 semaphore(%run_scoped3A : memref<!tpu.dma_semaphore, #tpu.memory_space<semaphore_mem>>) src(%arg5 : memref<5024x16xf32, #tpu.memory_space<hbm>>) dst(%dma_wait3A_114 : memref<5024x16xf32, #tpu.memory_space<vmem_shared>>)
      tpu.yield
    }) : () -> ()
    %mul3A_3 = arith.constant 5024 : i32
    %mul3A_4 = arith.muli %arg1, %mul3A_3 : i32
    "tpu.region"() ({
      %run_scoped3A = tpu.sem_alloc : memref<!tpu.dma_semaphore, #tpu.memory_space<semaphore_mem>>
      %dma_start3A_112 = tpu.memref_slice %arg24[%mul3A_4] : memref<80384xf32, #tpu.memory_space<vmem_shared>> -> memref<5024xf32, #tpu.memory_space<vmem_shared>>
      tpu.enqueue_dma source(%arg6 : memref<5024xf32, #tpu.memory_space<hbm>>) target(%dma_start3A_112 : memref<5024xf32, #tpu.memory_space<vmem_shared>>) target_semaphore(%run_scoped3A : memref<!tpu.dma_semaphore, #tpu.memory_space<semaphore_mem>>)
      %dma_wait3A = tpu.memref_slice %arg24[%mul3A_4] : memref<80384xf32, #tpu.memory_space<vmem_shared>> -> memref<5024xf32, #tpu.memory_space<vmem_shared>>
      tpu.wait_dma2 semaphore(%run_scoped3A : memref<!tpu.dma_semaphore, #tpu.memory_space<semaphore_mem>>) src(%arg6 : memref<5024xf32, #tpu.memory_space<hbm>>) dst(%dma_wait3A : memref<5024xf32, #tpu.memory_space<vmem_shared>>)
      tpu.yield
    }) : () -> ()
    %broadcast_in_dim3A = arith.constant 1.000000e+00 : f32
    %broadcast_in_dim3A_5 = vector.broadcast %broadcast_in_dim3A : f32 to vector<16xf32>
    %swap3A = arith.constant 0 : index
    %swap3A_6 = tpu.vector_load %arg23[%swap3A] {strides = array<i32>} : memref<256xf32, #tpu.memory_space<vmem>>, vector<16xf32>,
    %swap3A_7 = vector.shape_cast %swap3A_6 : vector<16xf32> to vector<16xf32>
    %swap3A_8 = vector.shape_cast %broadcast_in_dim3A_5 : vector<16xf32> to vector<16xf32>
    tpu.vector_store %arg23[%swap3A], %swap3A_8 {strides = array<i32>} : memref<256xf32, #tpu.memory_space<vmem>>, vector<16xf32>,
    %swap3A_9 = arith.constant 16 : index
    %swap3A_10 = tpu.vector_load %arg23[%swap3A_9] {strides = array<i32>} : memref<256xf32, #tpu.memory_space<vmem>>, vector<16xf32>,
    %swap3A_11 = vector.shape_cast %swap3A_10 : vector<16xf32> to vector<16xf32>
    %swap3A_12 = vector.shape_cast %broadcast_in_dim3A_5 : vector<16xf32> to vector<16xf32>
    tpu.vector_store %arg23[%swap3A_9], %swap3A_12 {strides = array<i32>} : memref<256xf32, #tpu.memory_space<vmem>>, vector<16xf32>,
    %swap3A_13 = arith.constant 32 : index
    %swap3A_14 = tpu.vector_load %arg23[%swap3A_13] {strides = array<i32>} : memref<256xf32, #tpu.memory_space<vmem>>, vector<16xf32>,
    %swap3A_15 = vector.shape_cast %swap3A_14 : vector<16xf32> to vector<16xf32>
    %swap3A_16 = vector.shape_cast %broadcast_in_dim3A_5 : vector<16xf32> to vector<16xf32>
    tpu.vector_store %arg23[%swap3A_13], %swap3A_16 {strides = array<i32>} : memref<256xf32, #tpu.memory_space<vmem>>, vector<16xf32>,
    %swap3A_17 = arith.constant 48 : index
    %swap3A_18 = tpu.vector_load %arg23[%swap3A_17] {strides = array<i32>} : memref<256xf32, #tpu.memory_space<vmem>>, vector<16xf32>,
    %swap3A_19 = vector.shape_cast %swap3A_18 : vector<16xf32> to vector<16xf32>
    %swap3A_20 = vector.shape_cast %broadcast_in_dim3A_5 : vector<16xf32> to vector<16xf32>
    tpu.vector_store %arg23[%swap3A_17], %swap3A_20 {strides = array<i32>} : memref<256xf32, #tpu.memory_space<vmem>>, vector<16xf32>,
    %swap3A_21 = arith.constant 64 : index
    %swap3A_22 = tpu.vector_load %arg23[%swap3A_21] {strides = array<i32>} : memref<256xf32, #tpu.memory_space<vmem>>, vector<16xf32>,
    %swap3A_23 = vector.shape_cast %swap3A_22 : vector<16xf32> to vector<16xf32>
    %swap3A_24 = vector.shape_cast %broadcast_in_dim3A_5 : vector<16xf32> to vector<16xf32>
    tpu.vector_store %arg23[%swap3A_21], %swap3A_24 {strides = array<i32>} : memref<256xf32, #tpu.memory_space<vmem>>, vector<16xf32>,
    %swap3A_25 = arith.constant 80 : index
    %swap3A_26 = tpu.vector_load %arg23[%swap3A_25] {strides = array<i32>} : memref<256xf32, #tpu.memory_space<vmem>>, vector<16xf32>,
    %swap3A_27 = vector.shape_cast %swap3A_26 : vector<16xf32> to vector<16xf32>
    %swap3A_28 = vector.shape_cast %broadcast_in_dim3A_5 : vector<16xf32> to vector<16xf32>
    tpu.vector_store %arg23[%swap3A_25], %swap3A_28 {strides = array<i32>} : memref<256xf32, #tpu.memory_space<vmem>>, vector<16xf32>,
    %swap3A_29 = arith.constant 96 : index
    %swap3A_30 = tpu.vector_load %arg23[%swap3A_29] {strides = array<i32>} : memref<256xf32, #tpu.memory_space<vmem>>, vector<16xf32>,
    %swap3A_31 = vector.shape_cast %swap3A_30 : vector<16xf32> to vector<16xf32>
    %swap3A_32 = vector.shape_cast %broadcast_in_dim3A_5 : vector<16xf32> to vector<16xf32>
    tpu.vector_store %arg23[%swap3A_29], %swap3A_32 {strides = array<i32>} : memref<256xf32, #tpu.memory_space<vmem>>, vector<16xf32>,
    %swap3A_33 = arith.constant 112 : index
    %swap3A_34 = tpu.vector_load %arg23[%swap3A_33] {strides = array<i32>} : memref<256xf32, #tpu.memory_space<vmem>>, vector<16xf32>,
    %swap3A_35 = vector.shape_cast %swap3A_34 : vector<16xf32> to vector<16xf32>
    %swap3A_36 = vector.shape_cast %broadcast_in_dim3A_5 : vector<16xf32> to vector<16xf32>
    tpu.vector_store %arg23[%swap3A_33], %swap3A_36 {strides = array<i32>} : memref<256xf32, #tpu.memory_space<vmem>>, vector<16xf32>,
    %swap3A_37 = arith.constant 128 : index
    %swap3A_38 = tpu.vector_load %arg23[%swap3A_37] {strides = array<i32>} : memref<256xf32, #tpu.memory_space<vmem>>, vector<16xf32>,
    %swap3A_39 = vector.shape_cast %swap3A_38 : vector<16xf32> to vector<16xf32>
    %swap3A_40 = vector.shape_cast %broadcast_in_dim3A_5 : vector<16xf32> to vector<16xf32>
    tpu.vector_store %arg23[%swap3A_37], %swap3A_40 {strides = array<i32>} : memref<256xf32, #tpu.memory_space<vmem>>, vector<16xf32>,
    %swap3A_41 = arith.constant 144 : index
    %swap3A_42 = tpu.vector_load %arg23[%swap3A_41] {strides = array<i32>} : memref<256xf32, #tpu.memory_space<vmem>>, vector<16xf32>,
    %swap3A_43 = vector.shape_cast %swap3A_42 : vector<16xf32> to vector<16xf32>
    %swap3A_44 = vector.shape_cast %broadcast_in_dim3A_5 : vector<16xf32> to vector<16xf32>
    tpu.vector_store %arg23[%swap3A_41], %swap3A_44 {strides = array<i32>} : memref<256xf32, #tpu.memory_space<vmem>>, vector<16xf32>,
    %swap3A_45 = arith.constant 160 : index
    %swap3A_46 = tpu.vector_load %arg23[%swap3A_45] {strides = array<i32>} : memref<256xf32, #tpu.memory_space<vmem>>, vector<16xf32>,
    %swap3A_47 = vector.shape_cast %swap3A_46 : vector<16xf32> to vector<16xf32>
    %swap3A_48 = vector.shape_cast %broadcast_in_dim3A_5 : vector<16xf32> to vector<16xf32>
    tpu.vector_store %arg23[%swap3A_45], %swap3A_48 {strides = array<i32>} : memref<256xf32, #tpu.memory_space<vmem>>, vector<16xf32>,
    %swap3A_49 = arith.constant 176 : index
    %swap3A_50 = tpu.vector_load %arg23[%swap3A_49] {strides = array<i32>} : memref<256xf32, #tpu.memory_space<vmem>>, vector<16xf32>,
    %swap3A_51 = vector.shape_cast %swap3A_50 : vector<16xf32> to vector<16xf32>
    %swap3A_52 = vector.shape_cast %broadcast_in_dim3A_5 : vector<16xf32> to vector<16xf32>
    tpu.vector_store %arg23[%swap3A_49], %swap3A_52 {strides = array<i32>} : memref<256xf32, #tpu.memory_space<vmem>>, vector<16xf32>,
    %swap3A_53 = arith.constant 192 : index
    %swap3A_54 = tpu.vector_load %arg23[%swap3A_53] {strides = array<i32>} : memref<256xf32, #tpu.memory_space<vmem>>, vector<16xf32>,
    %swap3A_55 = vector.shape_cast %swap3A_54 : vector<16xf32> to vector<16xf32>
    %swap3A_56 = vector.shape_cast %broadcast_in_dim3A_5 : vector<16xf32> to vector<16xf32>
    tpu.vector_store %arg23[%swap3A_53], %swap3A_56 {strides = array<i32>} : memref<256xf32, #tpu.memory_space<vmem>>, vector<16xf32>,
    %swap3A_57 = arith.constant 208 : index
    %swap3A_58 = tpu.vector_load %arg23[%swap3A_57] {strides = array<i32>} : memref<256xf32, #tpu.memory_space<vmem>>, vector<16xf32>,
    %swap3A_59 = vector.shape_cast %swap3A_58 : vector<16xf32> to vector<16xf32>
    %swap3A_60 = vector.shape_cast %broadcast_in_dim3A_5 : vector<16xf32> to vector<16xf32>
    tpu.vector_store %arg23[%swap3A_57], %swap3A_60 {strides = array<i32>} : memref<256xf32, #tpu.memory_space<vmem>>, vector<16xf32>,
    %swap3A_61 = arith.constant 224 : index
    %swap3A_62 = tpu.vector_load %arg23[%swap3A_61] {strides = array<i32>} : memref<256xf32, #tpu.memory_space<vmem>>, vector<16xf32>,
    %swap3A_63 = vector.shape_cast %swap3A_62 : vector<16xf32> to vector<16xf32>
    %swap3A_64 = vector.shape_cast %broadcast_in_dim3A_5 : vector<16xf32> to vector<16xf32>
    tpu.vector_store %arg23[%swap3A_61], %swap3A_64 {strides = array<i32>} : memref<256xf32, #tpu.memory_space<vmem>>, vector<16xf32>,
    %swap3A_65 = arith.constant 240 : index
    %swap3A_66 = tpu.vector_load %arg23[%swap3A_65] {strides = array<i32>} : memref<256xf32, #tpu.memory_space<vmem>>, vector<16xf32>,
    %swap3A_67 = vector.shape_cast %swap3A_66 : vector<16xf32> to vector<16xf32>
    %swap3A_68 = vector.shape_cast %broadcast_in_dim3A_5 : vector<16xf32> to vector<16xf32>
    tpu.vector_store %arg23[%swap3A_65], %swap3A_68 {strides = array<i32>} : memref<256xf32, #tpu.memory_space<vmem>>, vector<16xf32>,
    %barrier3A = arith.constant 0 : index
    tpu.barrier barrier_id(%barrier3A)
    %mul3A_69 = arith.constant 39 : i32
    %mul3A_70 = arith.muli %mul3A_69, %add3A : i32
    "tpu.region"() ({
      %run_scoped3A = tpu.sem_alloc : memref<!tpu.dma_semaphore, #tpu.memory_space<semaphore_mem>>
      %dma_start3A_112 = arith.constant 0 : i32
      %dma_start3A_113 = tpu.memref_slice %arg3[%mul3A_70, %dma_start3A_112] : memref<1250x256xi32, #tpu.memory_space<hbm>> -> memref<39x256xi32, #tpu.memory_space<hbm>>
      %dma_start3A_114 = arith.constant 0 : i32
      %dma_start3A_115 = tpu.memref_slice %arg3[%mul3A_70, %dma_start3A_114] : memref<1250x256xi32, #tpu.memory_space<hbm>> -> memref<39x256xi32, #tpu.memory_space<hbm>>
      tpu.enqueue_dma source(%dma_start3A_115 : memref<39x256xi32, #tpu.memory_space<hbm>>) target(%arg9 : memref<39x256xi32, #tpu.memory_space<vmem>>) target_semaphore(%run_scoped3A : memref<!tpu.dma_semaphore, #tpu.memory_space<semaphore_mem>>)
      %dma_wait3A = arith.constant 0 : i32
      %dma_wait3A_116 = tpu.memref_slice %arg3[%mul3A_70, %dma_wait3A] : memref<1250x256xi32, #tpu.memory_space<hbm>> -> memref<39x256xi32, #tpu.memory_space<hbm>>
      %dma_wait3A_117 = arith.constant 0 : i32
      %dma_wait3A_118 = tpu.memref_slice %arg3[%mul3A_70, %dma_wait3A_117] : memref<1250x256xi32, #tpu.memory_space<hbm>> -> memref<39x256xi32, #tpu.memory_space<hbm>>
      tpu.wait_dma2 semaphore(%run_scoped3A : memref<!tpu.dma_semaphore, #tpu.memory_space<semaphore_mem>>) src(%dma_wait3A_118 : memref<39x256xi32, #tpu.memory_space<hbm>>) dst(%arg9 : memref<39x256xi32, #tpu.memory_space<vmem>>)
      tpu.yield
    }) : () -> ()
    %mul3A_71 = arith.constant 39 : i32
    %mul3A_72 = arith.muli %mul3A_71, %add3A : i32
    "tpu.region"() ({
      %run_scoped3A = tpu.sem_alloc : memref<!tpu.dma_semaphore, #tpu.memory_space<semaphore_mem>>
      %dma_start3A_112 = arith.constant 0 : i32
      %dma_start3A_113 = tpu.memref_slice %arg4[%mul3A_72, %dma_start3A_112] : memref<1250x256xi32, #tpu.memory_space<hbm>> -> memref<39x256xi32, #tpu.memory_space<hbm>>
      %dma_start3A_114 = arith.constant 0 : i32
      %dma_start3A_115 = tpu.memref_slice %arg4[%mul3A_72, %dma_start3A_114] : memref<1250x256xi32, #tpu.memory_space<hbm>> -> memref<39x256xi32, #tpu.memory_space<hbm>>
      tpu.enqueue_dma source(%dma_start3A_115 : memref<39x256xi32, #tpu.memory_space<hbm>>) target(%arg10 : memref<39x256xi32, #tpu.memory_space<vmem>>) target_semaphore(%run_scoped3A : memref<!tpu.dma_semaphore, #tpu.memory_space<semaphore_mem>>)
      %dma_wait3A = arith.constant 0 : i32
      %dma_wait3A_116 = tpu.memref_slice %arg4[%mul3A_72, %dma_wait3A] : memref<1250x256xi32, #tpu.memory_space<hbm>> -> memref<39x256xi32, #tpu.memory_space<hbm>>
      %dma_wait3A_117 = arith.constant 0 : i32
      %dma_wait3A_118 = tpu.memref_slice %arg4[%mul3A_72, %dma_wait3A_117] : memref<1250x256xi32, #tpu.memory_space<hbm>> -> memref<39x256xi32, #tpu.memory_space<hbm>>
      tpu.wait_dma2 semaphore(%run_scoped3A : memref<!tpu.dma_semaphore, #tpu.memory_space<semaphore_mem>>) src(%dma_wait3A_118 : memref<39x256xi32, #tpu.memory_space<hbm>>) dst(%arg10 : memref<39x256xi32, #tpu.memory_space<vmem>>)
      tpu.yield
    }) : () -> ()
    %dma_start3A = arith.constant 0 : i32
    %dma_start3A_73 = arith.constant 0 : i32
    %dma_start3A_74 = tpu.memref_slice %arg9[%dma_start3A, %dma_start3A_73] : memref<39x256xi32, #tpu.memory_space<vmem>> -> memref<1x256xi32, #tpu.memory_space<vmem>>
    %dma_start3A_75 = tpu.memref_squeeze %dma_start3A_74 : memref<1x256xi32, #tpu.memory_space<vmem>> -> memref<256xi32, #tpu.memory_space<vmem>>
    %dma_start3A_76 = arith.constant 0 : i32
    %dma_start3A_77 = arith.constant 0 : i32
    %dma_start3A_78 = tpu.memref_slice %arg2[%dma_start3A_76, %dma_start3A_77] : memref<80000x16xf32, #tpu.memory_space<hbm>> -> memref<80000x16xf32, #tpu.memory_space<hbm>>
    tpu.enqueue_indirect_dma source(%dma_start3A_78 : memref<80000x16xf32, #tpu.memory_space<hbm>>) target(%arg13 : memref<256x16xf32, #tpu.memory_space<vmem>>) offsets(%dma_start3A_75 : memref<256xi32, #tpu.memory_space<vmem>>) semaphore(%arg17 : memref<!tpu.dma_semaphore, #tpu.memory_space<semaphore_mem>>)
    %dma_start3A_79 = arith.constant 1 : i32
    %dma_start3A_80 = arith.constant 0 : i32
    %dma_start3A_81 = tpu.memref_slice %arg9[%dma_start3A_79, %dma_start3A_80] : memref<39x256xi32, #tpu.memory_space<vmem>> -> memref<1x256xi32, #tpu.memory_space<vmem>>
    %dma_start3A_82 = tpu.memref_squeeze %dma_start3A_81 : memref<1x256xi32, #tpu.memory_space<vmem>> -> memref<256xi32, #tpu.memory_space<vmem>>
    %dma_start3A_83 = arith.constant 0 : i32
    %dma_start3A_84 = arith.constant 0 : i32
    %dma_start3A_85 = tpu.memref_slice %arg2[%dma_start3A_83, %dma_start3A_84] : memref<80000x16xf32, #tpu.memory_space<hbm>> -> memref<80000x16xf32, #tpu.memory_space<hbm>>
    tpu.enqueue_indirect_dma source(%dma_start3A_85 : memref<80000x16xf32, #tpu.memory_space<hbm>>) target(%arg14 : memref<256x16xf32, #tpu.memory_space<vmem>>) offsets(%dma_start3A_82 : memref<256xi32, #tpu.memory_space<vmem>>) semaphore(%arg18 : memref<!tpu.dma_semaphore, #tpu.memory_space<semaphore_mem>>)
    %dma_start3A_86 = arith.constant 2 : i32
    %dma_start3A_87 = arith.constant 0 : i32
    %dma_start3A_88 = tpu.memref_slice %arg9[%dma_start3A_86, %dma_start3A_87] : memref<39x256xi32, #tpu.memory_space<vmem>> -> memref<1x256xi32, #tpu.memory_space<vmem>>
    %dma_start3A_89 = tpu.memref_squeeze %dma_start3A_88 : memref<1x256xi32, #tpu.memory_space<vmem>> -> memref<256xi32, #tpu.memory_space<vmem>>
    %dma_start3A_90 = arith.constant 0 : i32
    %dma_start3A_91 = arith.constant 0 : i32
    %dma_start3A_92 = tpu.memref_slice %arg2[%dma_start3A_90, %dma_start3A_91] : memref<80000x16xf32, #tpu.memory_space<hbm>> -> memref<80000x16xf32, #tpu.memory_space<hbm>>
    tpu.enqueue_indirect_dma source(%dma_start3A_92 : memref<80000x16xf32, #tpu.memory_space<hbm>>) target(%arg15 : memref<256x16xf32, #tpu.memory_space<vmem>>) offsets(%dma_start3A_89 : memref<256xi32, #tpu.memory_space<vmem>>) semaphore(%arg19 : memref<!tpu.dma_semaphore, #tpu.memory_space<semaphore_mem>>)
    %scan3A = arith.constant 0 : i32
    %scan3A_93 = arith.constant 0 : i32
    %scan3A_94 = arith.constant 13 : i32
    %scan3A_95 = arith.addi %scan3A_93, %scan3A_94 : i32
    %scan3A_96 = arith.constant 1 : i32
    scf.for %scan3A_112 = %scan3A_93 to %scan3A_95 step %scan3A_96  : i32 {
      %mul3A_113 = arith.constant 3 : i32
      %mul3A_114 = arith.muli %scan3A_112, %mul3A_113 : i32
      %add3A_115 = arith.constant 0 : i32
      %add3A_116 = arith.addi %mul3A_114, %add3A_115 : i32
      %dma_wait3A = arith.constant 0 : i32
      %dma_wait3A_117 = tpu.memref_slice %arg9[%add3A_116, %dma_wait3A] : memref<39x256xi32, #tpu.memory_space<vmem>> -> memref<1x256xi32, #tpu.memory_space<vmem>>
      %dma_wait3A_118 = tpu.memref_squeeze %dma_wait3A_117 : memref<1x256xi32, #tpu.memory_space<vmem>> -> memref<256xi32, #tpu.memory_space<vmem>>
      %dma_wait3A_119 = arith.constant 0 : i32
      %dma_wait3A_120 = arith.constant 0 : i32
      %dma_wait3A_121 = tpu.memref_slice %arg2[%dma_wait3A_119, %dma_wait3A_120] : memref<80000x16xf32, #tpu.memory_space<hbm>> -> memref<80000x16xf32, #tpu.memory_space<hbm>>
      tpu.wait_indirect_dma semaphore(%arg17 : memref<!tpu.dma_semaphore, #tpu.memory_space<semaphore_mem>>) src(%dma_wait3A_121 : memref<80000x16xf32, #tpu.memory_space<hbm>>) dst(%arg13 : memref<256x16xf32, #tpu.memory_space<vmem>>)
      %dma_start3A_122 = arith.constant 0 : i32
      %dma_start3A_123 = tpu.memref_slice %arg10[%add3A_116, %dma_start3A_122] : memref<39x256xi32, #tpu.memory_space<vmem>> -> memref<1x256xi32, #tpu.memory_space<vmem>>
      %dma_start3A_124 = tpu.memref_squeeze %dma_start3A_123 : memref<1x256xi32, #tpu.memory_space<vmem>> -> memref<256xi32, #tpu.memory_space<vmem>>
      %dma_start3A_125 = arith.constant 0 : i32
      %dma_start3A_126 = arith.constant 0 : i32
      %dma_start3A_127 = tpu.memref_slice %arg16[%dma_start3A_125, %dma_start3A_126] : memref<80384x16xf32, #tpu.memory_space<vmem_shared>> -> memref<80384x16xf32, #tpu.memory_space<vmem_shared>>
      tpu.enqueue_indirect_dma source(%arg13 : memref<256x16xf32, #tpu.memory_space<vmem>>) target(%dma_start3A_127 : memref<80384x16xf32, #tpu.memory_space<vmem_shared>>) offsets(%dma_start3A_124 : memref<256xi32, #tpu.memory_space<vmem>>) semaphore(%arg20 : memref<!tpu.dma_semaphore, #tpu.memory_space<semaphore_mem>>) {add = true}
      %dma_start3A_128 = arith.constant 0 : i32
      %dma_start3A_129 = tpu.memref_slice %arg10[%add3A_116, %dma_start3A_128] : memref<39x256xi32, #tpu.memory_space<vmem>> -> memref<1x256xi32, #tpu.memory_space<vmem>>
      %dma_start3A_130 = tpu.memref_squeeze %dma_start3A_129 : memref<1x256xi32, #tpu.memory_space<vmem>> -> memref<256xi32, #tpu.memory_space<vmem>>
      %dma_start3A_131 = arith.constant 0 : i32
      %dma_start3A_132 = tpu.memref_slice %arg24[%dma_start3A_131] : memref<80384xf32, #tpu.memory_space<vmem_shared>> -> memref<80384xf32, #tpu.memory_space<vmem_shared>>
      tpu.enqueue_indirect_dma source(%arg23 : memref<256xf32, #tpu.memory_space<vmem>>) target(%dma_start3A_132 : memref<80384xf32, #tpu.memory_space<vmem_shared>>) offsets(%dma_start3A_130 : memref<256xi32, #tpu.memory_space<vmem>>) semaphore(%arg25 : memref<!tpu.dma_semaphore, #tpu.memory_space<semaphore_mem>>) {add = true}
      %add3A_133 = arith.constant 1 : i32
      %add3A_134 = arith.addi %mul3A_114, %add3A_133 : i32
      %dma_wait3A_135 = arith.constant 0 : i32
      %dma_wait3A_136 = tpu.memref_slice %arg9[%add3A_134, %dma_wait3A_135] : memref<39x256xi32, #tpu.memory_space<vmem>> -> memref<1x256xi32, #tpu.memory_space<vmem>>
      %dma_wait3A_137 = tpu.memref_squeeze %dma_wait3A_136 : memref<1x256xi32, #tpu.memory_space<vmem>> -> memref<256xi32, #tpu.memory_space<vmem>>
      %dma_wait3A_138 = arith.constant 0 : i32
      %dma_wait3A_139 = arith.constant 0 : i32
      %dma_wait3A_140 = tpu.memref_slice %arg2[%dma_wait3A_138, %dma_wait3A_139] : memref<80000x16xf32, #tpu.memory_space<hbm>> -> memref<80000x16xf32, #tpu.memory_space<hbm>>
      tpu.wait_indirect_dma semaphore(%arg18 : memref<!tpu.dma_semaphore, #tpu.memory_space<semaphore_mem>>) src(%dma_wait3A_140 : memref<80000x16xf32, #tpu.memory_space<hbm>>) dst(%arg14 : memref<256x16xf32, #tpu.memory_space<vmem>>)
      %dma_start3A_141 = arith.constant 0 : i32
      %dma_start3A_142 = tpu.memref_slice %arg10[%add3A_134, %dma_start3A_141] : memref<39x256xi32, #tpu.memory_space<vmem>> -> memref<1x256xi32, #tpu.memory_space<vmem>>
      %dma_start3A_143 = tpu.memref_squeeze %dma_start3A_142 : memref<1x256xi32, #tpu.memory_space<vmem>> -> memref<256xi32, #tpu.memory_space<vmem>>
      %dma_start3A_144 = arith.constant 0 : i32
      %dma_start3A_145 = arith.constant 0 : i32
      %dma_start3A_146 = tpu.memref_slice %arg16[%dma_start3A_144, %dma_start3A_145] : memref<80384x16xf32, #tpu.memory_space<vmem_shared>> -> memref<80384x16xf32, #tpu.memory_space<vmem_shared>>
      tpu.enqueue_indirect_dma source(%arg14 : memref<256x16xf32, #tpu.memory_space<vmem>>) target(%dma_start3A_146 : memref<80384x16xf32, #tpu.memory_space<vmem_shared>>) offsets(%dma_start3A_143 : memref<256xi32, #tpu.memory_space<vmem>>) semaphore(%arg21 : memref<!tpu.dma_semaphore, #tpu.memory_space<semaphore_mem>>) {add = true}
      %dma_start3A_147 = arith.constant 0 : i32
      %dma_start3A_148 = tpu.memref_slice %arg10[%add3A_134, %dma_start3A_147] : memref<39x256xi32, #tpu.memory_space<vmem>> -> memref<1x256xi32, #tpu.memory_space<vmem>>
      %dma_start3A_149 = tpu.memref_squeeze %dma_start3A_148 : memref<1x256xi32, #tpu.memory_space<vmem>> -> memref<256xi32, #tpu.memory_space<vmem>>
      %dma_start3A_150 = arith.constant 0 : i32
      %dma_start3A_151 = tpu.memref_slice %arg24[%dma_start3A_150] : memref<80384xf32, #tpu.memory_space<vmem_shared>> -> memref<80384xf32, #tpu.memory_space<vmem_shared>>
      tpu.enqueue_indirect_dma source(%arg23 : memref<256xf32, #tpu.memory_space<vmem>>) target(%dma_start3A_151 : memref<80384xf32, #tpu.memory_space<vmem_shared>>) offsets(%dma_start3A_149 : memref<256xi32, #tpu.memory_space<vmem>>) semaphore(%arg25 : memref<!tpu.dma_semaphore, #tpu.memory_space<semaphore_mem>>) {add = true}
      %add3A_152 = arith.constant 2 : i32
      %add3A_153 = arith.addi %mul3A_114, %add3A_152 : i32
      %dma_wait3A_154 = arith.constant 0 : i32
      %dma_wait3A_155 = tpu.memref_slice %arg9[%add3A_153, %dma_wait3A_154] : memref<39x256xi32, #tpu.memory_space<vmem>> -> memref<1x256xi32, #tpu.memory_space<vmem>>
      %dma_wait3A_156 = tpu.memref_squeeze %dma_wait3A_155 : memref<1x256xi32, #tpu.memory_space<vmem>> -> memref<256xi32, #tpu.memory_space<vmem>>
      %dma_wait3A_157 = arith.constant 0 : i32
      %dma_wait3A_158 = arith.constant 0 : i32
      %dma_wait3A_159 = tpu.memref_slice %arg2[%dma_wait3A_157, %dma_wait3A_158] : memref<80000x16xf32, #tpu.memory_space<hbm>> -> memref<80000x16xf32, #tpu.memory_space<hbm>>
      tpu.wait_indirect_dma semaphore(%arg19 : memref<!tpu.dma_semaphore, #tpu.memory_space<semaphore_mem>>) src(%dma_wait3A_159 : memref<80000x16xf32, #tpu.memory_space<hbm>>) dst(%arg15 : memref<256x16xf32, #tpu.memory_space<vmem>>)
      %dma_start3A_160 = arith.constant 0 : i32
      %dma_start3A_161 = tpu.memref_slice %arg10[%add3A_153, %dma_start3A_160] : memref<39x256xi32, #tpu.memory_space<vmem>> -> memref<1x256xi32, #tpu.memory_space<vmem>>
      %dma_start3A_162 = tpu.memref_squeeze %dma_start3A_161 : memref<1x256xi32, #tpu.memory_space<vmem>> -> memref<256xi32, #tpu.memory_space<vmem>>
      %dma_start3A_163 = arith.constant 0 : i32
      %dma_start3A_164 = arith.constant 0 : i32
      %dma_start3A_165 = tpu.memref_slice %arg16[%dma_start3A_163, %dma_start3A_164] : memref<80384x16xf32, #tpu.memory_space<vmem_shared>> -> memref<80384x16xf32, #tpu.memory_space<vmem_shared>>
      tpu.enqueue_indirect_dma source(%arg15 : memref<256x16xf32, #tpu.memory_space<vmem>>) target(%dma_start3A_165 : memref<80384x16xf32, #tpu.memory_space<vmem_shared>>) offsets(%dma_start3A_162 : memref<256xi32, #tpu.memory_space<vmem>>) semaphore(%arg22 : memref<!tpu.dma_semaphore, #tpu.memory_space<semaphore_mem>>) {add = true}
      %dma_start3A_166 = arith.constant 0 : i32
      %dma_start3A_167 = tpu.memref_slice %arg10[%add3A_153, %dma_start3A_166] : memref<39x256xi32, #tpu.memory_space<vmem>> -> memref<1x256xi32, #tpu.memory_space<vmem>>
      %dma_start3A_168 = tpu.memref_squeeze %dma_start3A_167 : memref<1x256xi32, #tpu.memory_space<vmem>> -> memref<256xi32, #tpu.memory_space<vmem>>
      %dma_start3A_169 = arith.constant 0 : i32
      %dma_start3A_170 = tpu.memref_slice %arg24[%dma_start3A_169] : memref<80384xf32, #tpu.memory_space<vmem_shared>> -> memref<80384xf32, #tpu.memory_space<vmem_shared>>
      tpu.enqueue_indirect_dma source(%arg23 : memref<256xf32, #tpu.memory_space<vmem>>) target(%dma_start3A_170 : memref<80384xf32, #tpu.memory_space<vmem_shared>>) offsets(%dma_start3A_168 : memref<256xi32, #tpu.memory_space<vmem>>) semaphore(%arg25 : memref<!tpu.dma_semaphore, #tpu.memory_space<semaphore_mem>>) {add = true}
      %add3A_171 = arith.constant 0 : i32
      %add3A_172 = arith.addi %mul3A_114, %add3A_171 : i32
      %dma_wait3A_173 = arith.constant 0 : i32
      %dma_wait3A_174 = tpu.memref_slice %arg10[%add3A_172, %dma_wait3A_173] : memref<39x256xi32, #tpu.memory_space<vmem>> -> memref<1x256xi32, #tpu.memory_space<vmem>>
      %dma_wait3A_175 = tpu.memref_squeeze %dma_wait3A_174 : memref<1x256xi32, #tpu.memory_space<vmem>> -> memref<256xi32, #tpu.memory_space<vmem>>
      %dma_wait3A_176 = arith.constant 0 : i32
      %dma_wait3A_177 = arith.constant 0 : i32
      %dma_wait3A_178 = tpu.memref_slice %arg16[%dma_wait3A_176, %dma_wait3A_177] : memref<80384x16xf32, #tpu.memory_space<vmem_shared>> -> memref<80384x16xf32, #tpu.memory_space<vmem_shared>>
      tpu.wait_indirect_dma semaphore(%arg20 : memref<!tpu.dma_semaphore, #tpu.memory_space<semaphore_mem>>) src(%arg13 : memref<256x16xf32, #tpu.memory_space<vmem>>) dst(%dma_wait3A_178 : memref<80384x16xf32, #tpu.memory_space<vmem_shared>>)
      %add3A_179 = arith.constant 3 : i32
      %add3A_180 = arith.addi %add3A_172, %add3A_179 : i32
      %lt3A_181 = arith.constant 39 : i32
      %lt3A_182 = arith.cmpi slt, %add3A_180, %lt3A_181 : i32
      %convert_element_type3A_183 = arith.extui %lt3A_182 : i1 to i32
      %cond3A_184 = arith.constant 0 : i32
      %cond3A_185 = arith.cmpi ne, %convert_element_type3A_183, %cond3A_184 : i32
      scf.if %cond3A_185 {
        %add3A_237 = arith.constant 3 : i32
        %add3A_238 = arith.addi %add3A_172, %add3A_237 : i32
        %dma_start3A_239 = arith.constant 0 : i32
        %dma_start3A_240 = tpu.memref_slice %arg9[%add3A_238, %dma_start3A_239] : memref<39x256xi32, #tpu.memory_space<vmem>> -> memref<1x256xi32, #tpu.memory_space<vmem>>
        %dma_start3A_241 = tpu.memref_squeeze %dma_start3A_240 : memref<1x256xi32, #tpu.memory_space<vmem>> -> memref<256xi32, #tpu.memory_space<vmem>>
        %dma_start3A_242 = arith.constant 0 : i32
        %dma_start3A_243 = arith.constant 0 : i32
        %dma_start3A_244 = tpu.memref_slice %arg2[%dma_start3A_242, %dma_start3A_243] : memref<80000x16xf32, #tpu.memory_space<hbm>> -> memref<80000x16xf32, #tpu.memory_space<hbm>>
        tpu.enqueue_indirect_dma source(%dma_start3A_244 : memref<80000x16xf32, #tpu.memory_space<hbm>>) target(%arg13 : memref<256x16xf32, #tpu.memory_space<vmem>>) offsets(%dma_start3A_241 : memref<256xi32, #tpu.memory_space<vmem>>) semaphore(%arg17 : memref<!tpu.dma_semaphore, #tpu.memory_space<semaphore_mem>>)
      } else {
      }
      %add3A_186 = arith.constant 1 : i32
      %add3A_187 = arith.addi %mul3A_114, %add3A_186 : i32
      %dma_wait3A_188 = arith.constant 0 : i32
      %dma_wait3A_189 = tpu.memref_slice %arg10[%add3A_187, %dma_wait3A_188] : memref<39x256xi32, #tpu.memory_space<vmem>> -> memref<1x256xi32, #tpu.memory_space<vmem>>
      %dma_wait3A_190 = tpu.memref_squeeze %dma_wait3A_189 : memref<1x256xi32, #tpu.memory_space<vmem>> -> memref<256xi32, #tpu.memory_space<vmem>>
      %dma_wait3A_191 = arith.constant 0 : i32
      %dma_wait3A_192 = arith.constant 0 : i32
      %dma_wait3A_193 = tpu.memref_slice %arg16[%dma_wait3A_191, %dma_wait3A_192] : memref<80384x16xf32, #tpu.memory_space<vmem_shared>> -> memref<80384x16xf32, #tpu.memory_space<vmem_shared>>
      tpu.wait_indirect_dma semaphore(%arg21 : memref<!tpu.dma_semaphore, #tpu.memory_space<semaphore_mem>>) src(%arg14 : memref<256x16xf32, #tpu.memory_space<vmem>>) dst(%dma_wait3A_193 : memref<80384x16xf32, #tpu.memory_space<vmem_shared>>)
      %add3A_194 = arith.constant 3 : i32
      %add3A_195 = arith.addi %add3A_187, %add3A_194 : i32
      %lt3A_196 = arith.constant 39 : i32
      %lt3A_197 = arith.cmpi slt, %add3A_195, %lt3A_196 : i32
      %convert_element_type3A_198 = arith.extui %lt3A_197 : i1 to i32
      %cond3A_199 = arith.constant 0 : i32
      %cond3A_200 = arith.cmpi ne, %convert_element_type3A_198, %cond3A_199 : i32
      scf.if %cond3A_200 {
        %add3A_237 = arith.constant 3 : i32
        %add3A_238 = arith.addi %add3A_187, %add3A_237 : i32
        %dma_start3A_239 = arith.constant 0 : i32
        %dma_start3A_240 = tpu.memref_slice %arg9[%add3A_238, %dma_start3A_239] : memref<39x256xi32, #tpu.memory_space<vmem>> -> memref<1x256xi32, #tpu.memory_space<vmem>>
        %dma_start3A_241 = tpu.memref_squeeze %dma_start3A_240 : memref<1x256xi32, #tpu.memory_space<vmem>> -> memref<256xi32, #tpu.memory_space<vmem>>
        %dma_start3A_242 = arith.constant 0 : i32
        %dma_start3A_243 = arith.constant 0 : i32
        %dma_start3A_244 = tpu.memref_slice %arg2[%dma_start3A_242, %dma_start3A_243] : memref<80000x16xf32, #tpu.memory_space<hbm>> -> memref<80000x16xf32, #tpu.memory_space<hbm>>
        tpu.enqueue_indirect_dma source(%dma_start3A_244 : memref<80000x16xf32, #tpu.memory_space<hbm>>) target(%arg14 : memref<256x16xf32, #tpu.memory_space<vmem>>) offsets(%dma_start3A_241 : memref<256xi32, #tpu.memory_space<vmem>>) semaphore(%arg18 : memref<!tpu.dma_semaphore, #tpu.memory_space<semaphore_mem>>)
      } else {
      }
      %add3A_201 = arith.constant 2 : i32
      %add3A_202 = arith.addi %mul3A_114, %add3A_201 : i32
      %dma_wait3A_203 = arith.constant 0 : i32
      %dma_wait3A_204 = tpu.memref_slice %arg10[%add3A_202, %dma_wait3A_203] : memref<39x256xi32, #tpu.memory_space<vmem>> -> memref<1x256xi32, #tpu.memory_space<vmem>>
      %dma_wait3A_205 = tpu.memref_squeeze %dma_wait3A_204 : memref<1x256xi32, #tpu.memory_space<vmem>> -> memref<256xi32, #tpu.memory_space<vmem>>
      %dma_wait3A_206 = arith.constant 0 : i32
      %dma_wait3A_207 = arith.constant 0 : i32
      %dma_wait3A_208 = tpu.memref_slice %arg16[%dma_wait3A_206, %dma_wait3A_207] : memref<80384x16xf32, #tpu.memory_space<vmem_shared>> -> memref<80384x16xf32, #tpu.memory_space<vmem_shared>>
      tpu.wait_indirect_dma semaphore(%arg22 : memref<!tpu.dma_semaphore, #tpu.memory_space<semaphore_mem>>) src(%arg15 : memref<256x16xf32, #tpu.memory_space<vmem>>) dst(%dma_wait3A_208 : memref<80384x16xf32, #tpu.memory_space<vmem_shared>>)
      %add3A_209 = arith.constant 3 : i32
      %add3A_210 = arith.addi %add3A_202, %add3A_209 : i32
      %lt3A_211 = arith.constant 39 : i32
      %lt3A_212 = arith.cmpi slt, %add3A_210, %lt3A_211 : i32
      %convert_element_type3A_213 = arith.extui %lt3A_212 : i1 to i32
      %cond3A_214 = arith.constant 0 : i32
      %cond3A_215 = arith.cmpi ne, %convert_element_type3A_213, %cond3A_214 : i32
      scf.if %cond3A_215 {
        %add3A_237 = arith.constant 3 : i32
        %add3A_238 = arith.addi %add3A_202, %add3A_237 : i32
        %dma_start3A_239 = arith.constant 0 : i32
        %dma_start3A_240 = tpu.memref_slice %arg9[%add3A_238, %dma_start3A_239] : memref<39x256xi32, #tpu.memory_space<vmem>> -> memref<1x256xi32, #tpu.memory_space<vmem>>
        %dma_start3A_241 = tpu.memref_squeeze %dma_start3A_240 : memref<1x256xi32, #tpu.memory_space<vmem>> -> memref<256xi32, #tpu.memory_space<vmem>>
        %dma_start3A_242 = arith.constant 0 : i32
        %dma_start3A_243 = arith.constant 0 : i32
        %dma_start3A_244 = tpu.memref_slice %arg2[%dma_start3A_242, %dma_start3A_243] : memref<80000x16xf32, #tpu.memory_space<hbm>> -> memref<80000x16xf32, #tpu.memory_space<hbm>>
        tpu.enqueue_indirect_dma source(%dma_start3A_244 : memref<80000x16xf32, #tpu.memory_space<hbm>>) target(%arg15 : memref<256x16xf32, #tpu.memory_space<vmem>>) offsets(%dma_start3A_241 : memref<256xi32, #tpu.memory_space<vmem>>) semaphore(%arg19 : memref<!tpu.dma_semaphore, #tpu.memory_space<semaphore_mem>>)
      } else {
      }
      %add3A_216 = arith.constant 0 : i32
      %add3A_217 = arith.addi %mul3A_114, %add3A_216 : i32
      %dma_wait3A_218 = arith.constant 0 : i32
      %dma_wait3A_219 = tpu.memref_slice %arg10[%add3A_217, %dma_wait3A_218] : memref<39x256xi32, #tpu.memory_space<vmem>> -> memref<1x256xi32, #tpu.memory_space<vmem>>
      %dma_wait3A_220 = tpu.memref_squeeze %dma_wait3A_219 : memref<1x256xi32, #tpu.memory_space<vmem>> -> memref<256xi32, #tpu.memory_space<vmem>>
      %dma_wait3A_221 = arith.constant 0 : i32
      %dma_wait3A_222 = tpu.memref_slice %arg24[%dma_wait3A_221] : memref<80384xf32, #tpu.memory_space<vmem_shared>> -> memref<80384xf32, #tpu.memory_space<vmem_shared>>
      tpu.wait_indirect_dma semaphore(%arg25 : memref<!tpu.dma_semaphore, #tpu.memory_space<semaphore_mem>>) src(%arg23 : memref<256xf32, #tpu.memory_space<vmem>>) dst(%dma_wait3A_222 : memref<80384xf32, #tpu.memory_space<vmem_shared>>)
      %add3A_223 = arith.constant 1 : i32
      %add3A_224 = arith.addi %mul3A_114, %add3A_223 : i32
      %dma_wait3A_225 = arith.constant 0 : i32
      %dma_wait3A_226 = tpu.memref_slice %arg10[%add3A_224, %dma_wait3A_225] : memref<39x256xi32, #tpu.memory_space<vmem>> -> memref<1x256xi32, #tpu.memory_space<vmem>>
      %dma_wait3A_227 = tpu.memref_squeeze %dma_wait3A_226 : memref<1x256xi32, #tpu.memory_space<vmem>> -> memref<256xi32, #tpu.memory_space<vmem>>
      %dma_wait3A_228 = arith.constant 0 : i32
      %dma_wait3A_229 = tpu.memref_slice %arg24[%dma_wait3A_228] : memref<80384xf32, #tpu.memory_space<vmem_shared>> -> memref<80384xf32, #tpu.memory_space<vmem_shared>>
      tpu.wait_indirect_dma semaphore(%arg25 : memref<!tpu.dma_semaphore, #tpu.memory_space<semaphore_mem>>) src(%arg23 : memref<256xf32, #tpu.memory_space<vmem>>) dst(%dma_wait3A_229 : memref<80384xf32, #tpu.memory_space<vmem_shared>>)
      %add3A_230 = arith.constant 2 : i32
      %add3A_231 = arith.addi %mul3A_114, %add3A_230 : i32
      %dma_wait3A_232 = arith.constant 0 : i32
      %dma_wait3A_233 = tpu.memref_slice %arg10[%add3A_231, %dma_wait3A_232] : memref<39x256xi32, #tpu.memory_space<vmem>> -> memref<1x256xi32, #tpu.memory_space<vmem>>
      %dma_wait3A_234 = tpu.memref_squeeze %dma_wait3A_233 : memref<1x256xi32, #tpu.memory_space<vmem>> -> memref<256xi32, #tpu.memory_space<vmem>>
      %dma_wait3A_235 = arith.constant 0 : i32
      %dma_wait3A_236 = tpu.memref_slice %arg24[%dma_wait3A_235] : memref<80384xf32, #tpu.memory_space<vmem_shared>> -> memref<80384xf32, #tpu.memory_space<vmem_shared>>
      tpu.wait_indirect_dma semaphore(%arg25 : memref<!tpu.dma_semaphore, #tpu.memory_space<semaphore_mem>>) src(%arg23 : memref<256xf32, #tpu.memory_space<vmem>>) dst(%dma_wait3A_236 : memref<80384xf32, #tpu.memory_space<vmem_shared>>)
    }
    %scan3A_97 = arith.constant 13 : i32
    %lt3A = arith.constant 2 : i32
    %lt3A_98 = arith.cmpi slt, %add3A, %lt3A : i32
    %convert_element_type3A = arith.extui %lt3A_98 : i1 to i32
    %cond3A = arith.constant 0 : i32
    %cond3A_99 = arith.cmpi ne, %convert_element_type3A, %cond3A : i32
    scf.if %cond3A_99 {
      %add3A_112 = arith.constant 1248 : i32
      %add3A_113 = arith.addi %add3A_112, %add3A : i32
      "tpu.region"() ({
        %run_scoped3A_118 = tpu.sem_alloc : memref<!tpu.dma_semaphore, #tpu.memory_space<semaphore_mem>>
        %dma_start3A_119 = arith.constant 0 : i32
        %dma_start3A_120 = tpu.memref_slice %arg3[%add3A_113, %dma_start3A_119] : memref<1250x256xi32, #tpu.memory_space<hbm>> -> memref<1x256xi32, #tpu.memory_space<hbm>>
        %dma_start3A_121 = arith.constant 0 : i32
        %dma_start3A_122 = tpu.memref_slice %arg3[%add3A_113, %dma_start3A_121] : memref<1250x256xi32, #tpu.memory_space<hbm>> -> memref<1x256xi32, #tpu.memory_space<hbm>>
        tpu.enqueue_dma source(%dma_start3A_122 : memref<1x256xi32, #tpu.memory_space<hbm>>) target(%arg11 : memref<1x256xi32, #tpu.memory_space<vmem>>) target_semaphore(%run_scoped3A_118 : memref<!tpu.dma_semaphore, #tpu.memory_space<semaphore_mem>>)
        %dma_wait3A = arith.constant 0 : i32
        %dma_wait3A_123 = tpu.memref_slice %arg3[%add3A_113, %dma_wait3A] : memref<1250x256xi32, #tpu.memory_space<hbm>> -> memref<1x256xi32, #tpu.memory_space<hbm>>
        %dma_wait3A_124 = arith.constant 0 : i32
        %dma_wait3A_125 = tpu.memref_slice %arg3[%add3A_113, %dma_wait3A_124] : memref<1250x256xi32, #tpu.memory_space<hbm>> -> memref<1x256xi32, #tpu.memory_space<hbm>>
        tpu.wait_dma2 semaphore(%run_scoped3A_118 : memref<!tpu.dma_semaphore, #tpu.memory_space<semaphore_mem>>) src(%dma_wait3A_125 : memref<1x256xi32, #tpu.memory_space<hbm>>) dst(%arg11 : memref<1x256xi32, #tpu.memory_space<vmem>>)
        tpu.yield
      }) : () -> ()
      %add3A_114 = arith.constant 1248 : i32
      %add3A_115 = arith.addi %add3A_114, %add3A : i32
      "tpu.region"() ({
        %run_scoped3A_118 = tpu.sem_alloc : memref<!tpu.dma_semaphore, #tpu.memory_space<semaphore_mem>>
        %dma_start3A_119 = arith.constant 0 : i32
        %dma_start3A_120 = tpu.memref_slice %arg4[%add3A_115, %dma_start3A_119] : memref<1250x256xi32, #tpu.memory_space<hbm>> -> memref<1x256xi32, #tpu.memory_space<hbm>>
        %dma_start3A_121 = arith.constant 0 : i32
        %dma_start3A_122 = tpu.memref_slice %arg4[%add3A_115, %dma_start3A_121] : memref<1250x256xi32, #tpu.memory_space<hbm>> -> memref<1x256xi32, #tpu.memory_space<hbm>>
        tpu.enqueue_dma source(%dma_start3A_122 : memref<1x256xi32, #tpu.memory_space<hbm>>) target(%arg12 : memref<1x256xi32, #tpu.memory_space<vmem>>) target_semaphore(%run_scoped3A_118 : memref<!tpu.dma_semaphore, #tpu.memory_space<semaphore_mem>>)
        %dma_wait3A = arith.constant 0 : i32
        %dma_wait3A_123 = tpu.memref_slice %arg4[%add3A_115, %dma_wait3A] : memref<1250x256xi32, #tpu.memory_space<hbm>> -> memref<1x256xi32, #tpu.memory_space<hbm>>
        %dma_wait3A_124 = arith.constant 0 : i32
        %dma_wait3A_125 = tpu.memref_slice %arg4[%add3A_115, %dma_wait3A_124] : memref<1250x256xi32, #tpu.memory_space<hbm>> -> memref<1x256xi32, #tpu.memory_space<hbm>>
        tpu.wait_dma2 semaphore(%run_scoped3A_118 : memref<!tpu.dma_semaphore, #tpu.memory_space<semaphore_mem>>) src(%dma_wait3A_125 : memref<1x256xi32, #tpu.memory_space<hbm>>) dst(%arg12 : memref<1x256xi32, #tpu.memory_space<vmem>>)
        tpu.yield
      }) : () -> ()
      %run_scoped3A = arith.constant 0 : i32
      "tpu.region"() ({
        %run_scoped3A_118 = tpu.sem_alloc : memref<!tpu.dma_semaphore, #tpu.memory_space<semaphore_mem>>
        %dma_start3A_119 = arith.constant 0 : i32
        %dma_start3A_120 = tpu.memref_slice %arg11[%run_scoped3A, %dma_start3A_119] : memref<1x256xi32, #tpu.memory_space<vmem>> -> memref<1x256xi32, #tpu.memory_space<vmem>>
        %dma_start3A_121 = tpu.memref_squeeze %dma_start3A_120 : memref<1x256xi32, #tpu.memory_space<vmem>> -> memref<256xi32, #tpu.memory_space<vmem>>
        %dma_start3A_122 = arith.constant 0 : i32
        %dma_start3A_123 = arith.constant 0 : i32
        %dma_start3A_124 = tpu.memref_slice %arg2[%dma_start3A_122, %dma_start3A_123] : memref<80000x16xf32, #tpu.memory_space<hbm>> -> memref<80000x16xf32, #tpu.memory_space<hbm>>
        tpu.enqueue_indirect_dma source(%dma_start3A_124 : memref<80000x16xf32, #tpu.memory_space<hbm>>) target(%arg13 : memref<256x16xf32, #tpu.memory_space<vmem>>) offsets(%dma_start3A_121 : memref<256xi32, #tpu.memory_space<vmem>>) semaphore(%run_scoped3A_118 : memref<!tpu.dma_semaphore, #tpu.memory_space<semaphore_mem>>)
        %dma_wait3A = arith.constant 0 : i32
        %dma_wait3A_125 = tpu.memref_slice %arg11[%run_scoped3A, %dma_wait3A] : memref<1x256xi32, #tpu.memory_space<vmem>> -> memref<1x256xi32, #tpu.memory_space<vmem>>
        %dma_wait3A_126 = tpu.memref_squeeze %dma_wait3A_125 : memref<1x256xi32, #tpu.memory_space<vmem>> -> memref<256xi32, #tpu.memory_space<vmem>>
        %dma_wait3A_127 = arith.constant 0 : i32
        %dma_wait3A_128 = arith.constant 0 : i32
        %dma_wait3A_129 = tpu.memref_slice %arg2[%dma_wait3A_127, %dma_wait3A_128] : memref<80000x16xf32, #tpu.memory_space<hbm>> -> memref<80000x16xf32, #tpu.memory_space<hbm>>
        tpu.wait_indirect_dma semaphore(%run_scoped3A_118 : memref<!tpu.dma_semaphore, #tpu.memory_space<semaphore_mem>>) src(%dma_wait3A_129 : memref<80000x16xf32, #tpu.memory_space<hbm>>) dst(%arg13 : memref<256x16xf32, #tpu.memory_space<vmem>>)
        tpu.yield
      }) : () -> ()
      %run_scoped3A_116 = arith.constant 0 : i32
      "tpu.region"() ({
        %run_scoped3A_118 = tpu.sem_alloc : memref<!tpu.dma_semaphore, #tpu.memory_space<semaphore_mem>>
        %dma_start3A_119 = arith.constant 0 : i32
        %dma_start3A_120 = tpu.memref_slice %arg12[%run_scoped3A_116, %dma_start3A_119] : memref<1x256xi32, #tpu.memory_space<vmem>> -> memref<1x256xi32, #tpu.memory_space<vmem>>
        %dma_start3A_121 = tpu.memref_squeeze %dma_start3A_120 : memref<1x256xi32, #tpu.memory_space<vmem>> -> memref<256xi32, #tpu.memory_space<vmem>>
        %dma_start3A_122 = arith.constant 0 : i32
        %dma_start3A_123 = arith.constant 0 : i32
        %dma_start3A_124 = tpu.memref_slice %arg16[%dma_start3A_122, %dma_start3A_123] : memref<80384x16xf32, #tpu.memory_space<vmem_shared>> -> memref<80384x16xf32, #tpu.memory_space<vmem_shared>>
        tpu.enqueue_indirect_dma source(%arg13 : memref<256x16xf32, #tpu.memory_space<vmem>>) target(%dma_start3A_124 : memref<80384x16xf32, #tpu.memory_space<vmem_shared>>) offsets(%dma_start3A_121 : memref<256xi32, #tpu.memory_space<vmem>>) semaphore(%run_scoped3A_118 : memref<!tpu.dma_semaphore, #tpu.memory_space<semaphore_mem>>) {add = true}
        %dma_wait3A = arith.constant 0 : i32
        %dma_wait3A_125 = tpu.memref_slice %arg12[%run_scoped3A_116, %dma_wait3A] : memref<1x256xi32, #tpu.memory_space<vmem>> -> memref<1x256xi32, #tpu.memory_space<vmem>>
        %dma_wait3A_126 = tpu.memref_squeeze %dma_wait3A_125 : memref<1x256xi32, #tpu.memory_space<vmem>> -> memref<256xi32, #tpu.memory_space<vmem>>
        %dma_wait3A_127 = arith.constant 0 : i32
        %dma_wait3A_128 = arith.constant 0 : i32
        %dma_wait3A_129 = tpu.memref_slice %arg16[%dma_wait3A_127, %dma_wait3A_128] : memref<80384x16xf32, #tpu.memory_space<vmem_shared>> -> memref<80384x16xf32, #tpu.memory_space<vmem_shared>>
        tpu.wait_indirect_dma semaphore(%run_scoped3A_118 : memref<!tpu.dma_semaphore, #tpu.memory_space<semaphore_mem>>) src(%arg13 : memref<256x16xf32, #tpu.memory_space<vmem>>) dst(%dma_wait3A_129 : memref<80384x16xf32, #tpu.memory_space<vmem_shared>>)
        tpu.yield
      }) : () -> ()
      %run_scoped3A_117 = arith.constant 0 : i32
      "tpu.region"() ({
        %run_scoped3A_118 = tpu.sem_alloc : memref<!tpu.dma_semaphore, #tpu.memory_space<semaphore_mem>>
        %dma_start3A_119 = arith.constant 0 : i32
        %dma_start3A_120 = tpu.memref_slice %arg12[%run_scoped3A_117, %dma_start3A_119] : memref<1x256xi32, #tpu.memory_space<vmem>> -> memref<1x256xi32, #tpu.memory_space<vmem>>
        %dma_start3A_121 = tpu.memref_squeeze %dma_start3A_120 : memref<1x256xi32, #tpu.memory_space<vmem>> -> memref<256xi32, #tpu.memory_space<vmem>>
        %dma_start3A_122 = arith.constant 0 : i32
        %dma_start3A_123 = tpu.memref_slice %arg24[%dma_start3A_122] : memref<80384xf32, #tpu.memory_space<vmem_shared>> -> memref<80384xf32, #tpu.memory_space<vmem_shared>>
        tpu.enqueue_indirect_dma source(%arg23 : memref<256xf32, #tpu.memory_space<vmem>>) target(%dma_start3A_123 : memref<80384xf32, #tpu.memory_space<vmem_shared>>) offsets(%dma_start3A_121 : memref<256xi32, #tpu.memory_space<vmem>>) semaphore(%run_scoped3A_118 : memref<!tpu.dma_semaphore, #tpu.memory_space<semaphore_mem>>) {add = true}
        %dma_wait3A = arith.constant 0 : i32
        %dma_wait3A_124 = tpu.memref_slice %arg12[%run_scoped3A_117, %dma_wait3A] : memref<1x256xi32, #tpu.memory_space<vmem>> -> memref<1x256xi32, #tpu.memory_space<vmem>>
        %dma_wait3A_125 = tpu.memref_squeeze %dma_wait3A_124 : memref<1x256xi32, #tpu.memory_space<vmem>> -> memref<256xi32, #tpu.memory_space<vmem>>
        %dma_wait3A_126 = arith.constant 0 : i32
        %dma_wait3A_127 = tpu.memref_slice %arg24[%dma_wait3A_126] : memref<80384xf32, #tpu.memory_space<vmem_shared>> -> memref<80384xf32, #tpu.memory_space<vmem_shared>>
        tpu.wait_indirect_dma semaphore(%run_scoped3A_118 : memref<!tpu.dma_semaphore, #tpu.memory_space<semaphore_mem>>) src(%arg23 : memref<256xf32, #tpu.memory_space<vmem>>) dst(%dma_wait3A_127 : memref<80384xf32, #tpu.memory_space<vmem_shared>>)
        tpu.yield
      }) : () -> ()
    } else {
    }
    %barrier3A_100 = arith.constant 0 : index
    tpu.barrier barrier_id(%barrier3A_100)
    %mul3A_101 = arith.constant 5024 : i32
    %mul3A_102 = arith.muli %arg1, %mul3A_101 : i32
    %mul3A_103 = arith.constant 5024 : i32
    %mul3A_104 = arith.muli %arg1, %mul3A_103 : i32
    "tpu.region"() ({
      %run_scoped3A = tpu.sem_alloc : memref<!tpu.dma_semaphore, #tpu.memory_space<semaphore_mem>>
      %dma_start3A_112 = arith.constant 0 : i32
      %dma_start3A_113 = tpu.memref_slice %arg7[%arg0, %mul3A_104, %dma_start3A_112] : memref<2x80384x16xf32, #tpu.memory_space<hbm>> -> memref<1x5024x16xf32, #tpu.memory_space<hbm>>
      %dma_start3A_114 = tpu.memref_squeeze %dma_start3A_113 : memref<1x5024x16xf32, #tpu.memory_space<hbm>> -> memref<5024x16xf32, #tpu.memory_space<hbm>>
      %dma_start3A_115 = arith.constant 0 : i32
      %dma_start3A_116 = tpu.memref_slice %arg16[%mul3A_102, %dma_start3A_115] : memref<80384x16xf32, #tpu.memory_space<vmem_shared>> -> memref<5024x16xf32, #tpu.memory_space<vmem_shared>>
      tpu.enqueue_dma source(%dma_start3A_116 : memref<5024x16xf32, #tpu.memory_space<vmem_shared>>) target(%dma_start3A_114 : memref<5024x16xf32, #tpu.memory_space<hbm>>) target_semaphore(%run_scoped3A : memref<!tpu.dma_semaphore, #tpu.memory_space<semaphore_mem>>)
      %dma_wait3A = arith.constant 0 : i32
      %dma_wait3A_117 = tpu.memref_slice %arg7[%arg0, %mul3A_104, %dma_wait3A] : memref<2x80384x16xf32, #tpu.memory_space<hbm>> -> memref<1x5024x16xf32, #tpu.memory_space<hbm>>
      %dma_wait3A_118 = tpu.memref_squeeze %dma_wait3A_117 : memref<1x5024x16xf32, #tpu.memory_space<hbm>> -> memref<5024x16xf32, #tpu.memory_space<hbm>>
      %dma_wait3A_119 = arith.constant 0 : i32
      %dma_wait3A_120 = tpu.memref_slice %arg16[%mul3A_102, %dma_wait3A_119] : memref<80384x16xf32, #tpu.memory_space<vmem_shared>> -> memref<5024x16xf32, #tpu.memory_space<vmem_shared>>
      tpu.wait_dma2 semaphore(%run_scoped3A : memref<!tpu.dma_semaphore, #tpu.memory_space<semaphore_mem>>) src(%dma_wait3A_120 : memref<5024x16xf32, #tpu.memory_space<vmem_shared>>) dst(%dma_wait3A_118 : memref<5024x16xf32, #tpu.memory_space<hbm>>)
      tpu.yield
    }) : () -> ()
    %mul3A_105 = arith.constant 5024 : i32
    %mul3A_106 = arith.muli %arg1, %mul3A_105 : i32
    %mul3A_107 = arith.constant 80384 : i32
    %mul3A_108 = arith.muli %arg0, %mul3A_107 : i32
    %mul3A_109 = arith.constant 5024 : i32
    %mul3A_110 = arith.muli %arg1, %mul3A_109 : i32
    %add3A_111 = arith.addi %mul3A_108, %mul3A_110 : i32
    "tpu.region"() ({
      %run_scoped3A = tpu.sem_alloc : memref<!tpu.dma_semaphore, #tpu.memory_space<semaphore_mem>>
      %dma_start3A_112 = tpu.memref_slice %arg8[%add3A_111] : memref<160768xf32, #tpu.memory_space<hbm>> -> memref<5024xf32, #tpu.memory_space<hbm>>
      %dma_start3A_113 = tpu.memref_slice %arg24[%mul3A_106] : memref<80384xf32, #tpu.memory_space<vmem_shared>> -> memref<5024xf32, #tpu.memory_space<vmem_shared>>
      tpu.enqueue_dma source(%dma_start3A_113 : memref<5024xf32, #tpu.memory_space<vmem_shared>>) target(%dma_start3A_112 : memref<5024xf32, #tpu.memory_space<hbm>>) target_semaphore(%run_scoped3A : memref<!tpu.dma_semaphore, #tpu.memory_space<semaphore_mem>>)
      %dma_wait3A = tpu.memref_slice %arg8[%add3A_111] : memref<160768xf32, #tpu.memory_space<hbm>> -> memref<5024xf32, #tpu.memory_space<hbm>>
      %dma_wait3A_114 = tpu.memref_slice %arg24[%mul3A_106] : memref<80384xf32, #tpu.memory_space<vmem_shared>> -> memref<5024xf32, #tpu.memory_space<vmem_shared>>
      tpu.wait_dma2 semaphore(%run_scoped3A : memref<!tpu.dma_semaphore, #tpu.memory_space<semaphore_mem>>) src(%dma_wait3A_114 : memref<5024xf32, #tpu.memory_space<vmem_shared>>) dst(%dma_wait3A : memref<5024xf32, #tpu.memory_space<hbm>>)
      tpu.yield
    }) : () -> ()
    return
  }
}

#map = affine_map<(d0, d1) -> (0, 0)>
#map1 = affine_map<(d0, d1) -> (0, 0, 0)>
module attributes {stable_mosaic.version = 14 : i64} {
  func.func @body(%arg0: i32, %arg1: i32, %arg2: memref<10000x16xf32, #tpu.memory_space<hbm>>, %arg3: memref<1250x256xi32, #tpu.memory_space<hbm>>, %arg4: memref<1250x256xi32, #tpu.memory_space<hbm>>, %arg5: memref<5024x16xf32, #tpu.memory_space<hbm>>, %arg6: memref<2x80384x16xf32, #tpu.memory_space<hbm>>, %arg7: memref<39x256xi32, #tpu.memory_space<vmem>>, %arg8: memref<39x256xi32, #tpu.memory_space<vmem>>, %arg9: memref<1x256xi32, #tpu.memory_space<vmem>>, %arg10: memref<1x256xi32, #tpu.memory_space<vmem>>, %arg11: memref<256x16xf32, #tpu.memory_space<vmem>>, %arg12: memref<256x16xf32, #tpu.memory_space<vmem>>, %arg13: memref<256x16xf32, #tpu.memory_space<vmem>>, %arg14: memref<80384x16xf32, #tpu.memory_space<vmem_shared>>, %arg15: memref<!tpu.dma_semaphore, #tpu.memory_space<semaphore_mem>>, %arg16: memref<!tpu.dma_semaphore, #tpu.memory_space<semaphore_mem>>, %arg17: memref<!tpu.dma_semaphore, #tpu.memory_space<semaphore_mem>>, %arg18: memref<!tpu.dma_semaphore, #tpu.memory_space<semaphore_mem>>, %arg19: memref<!tpu.dma_semaphore, #tpu.memory_space<semaphore_mem>>, %arg20: memref<!tpu.dma_semaphore, #tpu.memory_space<semaphore_mem>>, %arg21: memref<10000x16xf32, #tpu.memory_space<vmem_shared>>) attributes {dimension_semantics = [#tpu.dimension_semantics<core_parallel>, #tpu.dimension_semantics<subcore_parallel>], iteration_bounds = array<i64: 2, 16>, scalar_prefetch = 0 : i64, scratch_operands = 15 : i64, tpu.core_type = #tpu.core_type<sc_vector_subcore>, window_params = [{transform_indices = #map}, {transform_indices = #map}, {transform_indices = #map}, {transform_indices = #map}, {transform_indices = #map1}]} {
    %mul3A = arith.constant 16 : i32
    %mul3A_0 = arith.muli %arg0, %mul3A : i32
    %add3A = arith.addi %mul3A_0, %arg1 : i32
    %mul3A_1 = arith.constant 5024 : i32
    %mul3A_2 = arith.muli %arg1, %mul3A_1 : i32
    "tpu.region"() ({
      %run_scoped3A = tpu.sem_alloc : memref<!tpu.dma_semaphore, #tpu.memory_space<semaphore_mem>>
      %dma_start3A_43 = arith.constant 0 : i32
      %dma_start3A_44 = tpu.memref_slice %arg14[%mul3A_2, %dma_start3A_43] : memref<80384x16xf32, #tpu.memory_space<vmem_shared>> -> memref<5024x16xf32, #tpu.memory_space<vmem_shared>>
      tpu.enqueue_dma source(%arg5 : memref<5024x16xf32, #tpu.memory_space<hbm>>) target(%dma_start3A_44 : memref<5024x16xf32, #tpu.memory_space<vmem_shared>>) target_semaphore(%run_scoped3A : memref<!tpu.dma_semaphore, #tpu.memory_space<semaphore_mem>>)
      %dma_wait3A = arith.constant 0 : i32
      %dma_wait3A_45 = tpu.memref_slice %arg14[%mul3A_2, %dma_wait3A] : memref<80384x16xf32, #tpu.memory_space<vmem_shared>> -> memref<5024x16xf32, #tpu.memory_space<vmem_shared>>
      tpu.wait_dma2 semaphore(%run_scoped3A : memref<!tpu.dma_semaphore, #tpu.memory_space<semaphore_mem>>) src(%arg5 : memref<5024x16xf32, #tpu.memory_space<hbm>>) dst(%dma_wait3A_45 : memref<5024x16xf32, #tpu.memory_space<vmem_shared>>)
      tpu.yield
    }) : () -> ()
    %mul3A_3 = arith.constant 625 : i32
    %mul3A_4 = arith.muli %arg1, %mul3A_3 : i32
    %mul3A_5 = arith.constant 625 : i32
    %mul3A_6 = arith.muli %arg1, %mul3A_5 : i32
    "tpu.region"() ({
      %run_scoped3A = tpu.sem_alloc : memref<!tpu.dma_semaphore, #tpu.memory_space<semaphore_mem>>
      %dma_start3A_43 = arith.constant 0 : i32
      %dma_start3A_44 = tpu.memref_slice %arg21[%mul3A_6, %dma_start3A_43] : memref<10000x16xf32, #tpu.memory_space<vmem_shared>> -> memref<625x16xf32, #tpu.memory_space<vmem_shared>>
      %dma_start3A_45 = arith.constant 0 : i32
      %dma_start3A_46 = tpu.memref_slice %arg2[%mul3A_4, %dma_start3A_45] : memref<10000x16xf32, #tpu.memory_space<hbm>> -> memref<625x16xf32, #tpu.memory_space<hbm>>
      tpu.enqueue_dma source(%dma_start3A_46 : memref<625x16xf32, #tpu.memory_space<hbm>>) target(%dma_start3A_44 : memref<625x16xf32, #tpu.memory_space<vmem_shared>>) target_semaphore(%run_scoped3A : memref<!tpu.dma_semaphore, #tpu.memory_space<semaphore_mem>>)
      %dma_wait3A = arith.constant 0 : i32
      %dma_wait3A_47 = tpu.memref_slice %arg21[%mul3A_6, %dma_wait3A] : memref<10000x16xf32, #tpu.memory_space<vmem_shared>> -> memref<625x16xf32, #tpu.memory_space<vmem_shared>>
      %dma_wait3A_48 = arith.constant 0 : i32
      %dma_wait3A_49 = tpu.memref_slice %arg2[%mul3A_4, %dma_wait3A_48] : memref<10000x16xf32, #tpu.memory_space<hbm>> -> memref<625x16xf32, #tpu.memory_space<hbm>>
      tpu.wait_dma2 semaphore(%run_scoped3A : memref<!tpu.dma_semaphore, #tpu.memory_space<semaphore_mem>>) src(%dma_wait3A_49 : memref<625x16xf32, #tpu.memory_space<hbm>>) dst(%dma_wait3A_47 : memref<625x16xf32, #tpu.memory_space<vmem_shared>>)
      tpu.yield
    }) : () -> ()
    %barrier3A = arith.constant 0 : index
    tpu.barrier barrier_id(%barrier3A)
    %mul3A_7 = arith.constant 39 : i32
    %mul3A_8 = arith.muli %mul3A_7, %add3A : i32
    "tpu.region"() ({
      %run_scoped3A = tpu.sem_alloc : memref<!tpu.dma_semaphore, #tpu.memory_space<semaphore_mem>>
      %dma_start3A_43 = arith.constant 0 : i32
      %dma_start3A_44 = tpu.memref_slice %arg3[%mul3A_8, %dma_start3A_43] : memref<1250x256xi32, #tpu.memory_space<hbm>> -> memref<39x256xi32, #tpu.memory_space<hbm>>
      %dma_start3A_45 = arith.constant 0 : i32
      %dma_start3A_46 = tpu.memref_slice %arg3[%mul3A_8, %dma_start3A_45] : memref<1250x256xi32, #tpu.memory_space<hbm>> -> memref<39x256xi32, #tpu.memory_space<hbm>>
      tpu.enqueue_dma source(%dma_start3A_46 : memref<39x256xi32, #tpu.memory_space<hbm>>) target(%arg7 : memref<39x256xi32, #tpu.memory_space<vmem>>) target_semaphore(%run_scoped3A : memref<!tpu.dma_semaphore, #tpu.memory_space<semaphore_mem>>)
      %dma_wait3A = arith.constant 0 : i32
      %dma_wait3A_47 = tpu.memref_slice %arg3[%mul3A_8, %dma_wait3A] : memref<1250x256xi32, #tpu.memory_space<hbm>> -> memref<39x256xi32, #tpu.memory_space<hbm>>
      %dma_wait3A_48 = arith.constant 0 : i32
      %dma_wait3A_49 = tpu.memref_slice %arg3[%mul3A_8, %dma_wait3A_48] : memref<1250x256xi32, #tpu.memory_space<hbm>> -> memref<39x256xi32, #tpu.memory_space<hbm>>
      tpu.wait_dma2 semaphore(%run_scoped3A : memref<!tpu.dma_semaphore, #tpu.memory_space<semaphore_mem>>) src(%dma_wait3A_49 : memref<39x256xi32, #tpu.memory_space<hbm>>) dst(%arg7 : memref<39x256xi32, #tpu.memory_space<vmem>>)
      tpu.yield
    }) : () -> ()
    %mul3A_9 = arith.constant 39 : i32
    %mul3A_10 = arith.muli %mul3A_9, %add3A : i32
    "tpu.region"() ({
      %run_scoped3A = tpu.sem_alloc : memref<!tpu.dma_semaphore, #tpu.memory_space<semaphore_mem>>
      %dma_start3A_43 = arith.constant 0 : i32
      %dma_start3A_44 = tpu.memref_slice %arg4[%mul3A_10, %dma_start3A_43] : memref<1250x256xi32, #tpu.memory_space<hbm>> -> memref<39x256xi32, #tpu.memory_space<hbm>>
      %dma_start3A_45 = arith.constant 0 : i32
      %dma_start3A_46 = tpu.memref_slice %arg4[%mul3A_10, %dma_start3A_45] : memref<1250x256xi32, #tpu.memory_space<hbm>> -> memref<39x256xi32, #tpu.memory_space<hbm>>
      tpu.enqueue_dma source(%dma_start3A_46 : memref<39x256xi32, #tpu.memory_space<hbm>>) target(%arg8 : memref<39x256xi32, #tpu.memory_space<vmem>>) target_semaphore(%run_scoped3A : memref<!tpu.dma_semaphore, #tpu.memory_space<semaphore_mem>>)
      %dma_wait3A = arith.constant 0 : i32
      %dma_wait3A_47 = tpu.memref_slice %arg4[%mul3A_10, %dma_wait3A] : memref<1250x256xi32, #tpu.memory_space<hbm>> -> memref<39x256xi32, #tpu.memory_space<hbm>>
      %dma_wait3A_48 = arith.constant 0 : i32
      %dma_wait3A_49 = tpu.memref_slice %arg4[%mul3A_10, %dma_wait3A_48] : memref<1250x256xi32, #tpu.memory_space<hbm>> -> memref<39x256xi32, #tpu.memory_space<hbm>>
      tpu.wait_dma2 semaphore(%run_scoped3A : memref<!tpu.dma_semaphore, #tpu.memory_space<semaphore_mem>>) src(%dma_wait3A_49 : memref<39x256xi32, #tpu.memory_space<hbm>>) dst(%arg8 : memref<39x256xi32, #tpu.memory_space<vmem>>)
      tpu.yield
    }) : () -> ()
    %dma_start3A = arith.constant 0 : i32
    %dma_start3A_11 = arith.constant 0 : i32
    %dma_start3A_12 = tpu.memref_slice %arg7[%dma_start3A, %dma_start3A_11] : memref<39x256xi32, #tpu.memory_space<vmem>> -> memref<1x256xi32, #tpu.memory_space<vmem>>
    %dma_start3A_13 = tpu.memref_squeeze %dma_start3A_12 : memref<1x256xi32, #tpu.memory_space<vmem>> -> memref<256xi32, #tpu.memory_space<vmem>>
    %dma_start3A_14 = arith.constant 0 : i32
    %dma_start3A_15 = arith.constant 0 : i32
    %dma_start3A_16 = tpu.memref_slice %arg21[%dma_start3A_14, %dma_start3A_15] : memref<10000x16xf32, #tpu.memory_space<vmem_shared>> -> memref<10000x16xf32, #tpu.memory_space<vmem_shared>>
    tpu.enqueue_indirect_dma source(%dma_start3A_16 : memref<10000x16xf32, #tpu.memory_space<vmem_shared>>) target(%arg11 : memref<256x16xf32, #tpu.memory_space<vmem>>) offsets(%dma_start3A_13 : memref<256xi32, #tpu.memory_space<vmem>>) semaphore(%arg15 : memref<!tpu.dma_semaphore, #tpu.memory_space<semaphore_mem>>)
    %dma_start3A_17 = arith.constant 1 : i32
    %dma_start3A_18 = arith.constant 0 : i32
    %dma_start3A_19 = tpu.memref_slice %arg7[%dma_start3A_17, %dma_start3A_18] : memref<39x256xi32, #tpu.memory_space<vmem>> -> memref<1x256xi32, #tpu.memory_space<vmem>>
    %dma_start3A_20 = tpu.memref_squeeze %dma_start3A_19 : memref<1x256xi32, #tpu.memory_space<vmem>> -> memref<256xi32, #tpu.memory_space<vmem>>
    %dma_start3A_21 = arith.constant 0 : i32
    %dma_start3A_22 = arith.constant 0 : i32
    %dma_start3A_23 = tpu.memref_slice %arg21[%dma_start3A_21, %dma_start3A_22] : memref<10000x16xf32, #tpu.memory_space<vmem_shared>> -> memref<10000x16xf32, #tpu.memory_space<vmem_shared>>
    tpu.enqueue_indirect_dma source(%dma_start3A_23 : memref<10000x16xf32, #tpu.memory_space<vmem_shared>>) target(%arg12 : memref<256x16xf32, #tpu.memory_space<vmem>>) offsets(%dma_start3A_20 : memref<256xi32, #tpu.memory_space<vmem>>) semaphore(%arg16 : memref<!tpu.dma_semaphore, #tpu.memory_space<semaphore_mem>>)
    %dma_start3A_24 = arith.constant 2 : i32
    %dma_start3A_25 = arith.constant 0 : i32
    %dma_start3A_26 = tpu.memref_slice %arg7[%dma_start3A_24, %dma_start3A_25] : memref<39x256xi32, #tpu.memory_space<vmem>> -> memref<1x256xi32, #tpu.memory_space<vmem>>
    %dma_start3A_27 = tpu.memref_squeeze %dma_start3A_26 : memref<1x256xi32, #tpu.memory_space<vmem>> -> memref<256xi32, #tpu.memory_space<vmem>>
    %dma_start3A_28 = arith.constant 0 : i32
    %dma_start3A_29 = arith.constant 0 : i32
    %dma_start3A_30 = tpu.memref_slice %arg21[%dma_start3A_28, %dma_start3A_29] : memref<10000x16xf32, #tpu.memory_space<vmem_shared>> -> memref<10000x16xf32, #tpu.memory_space<vmem_shared>>
    tpu.enqueue_indirect_dma source(%dma_start3A_30 : memref<10000x16xf32, #tpu.memory_space<vmem_shared>>) target(%arg13 : memref<256x16xf32, #tpu.memory_space<vmem>>) offsets(%dma_start3A_27 : memref<256xi32, #tpu.memory_space<vmem>>) semaphore(%arg17 : memref<!tpu.dma_semaphore, #tpu.memory_space<semaphore_mem>>)
    %scan3A = arith.constant 0 : i32
    %scan3A_31 = arith.constant 0 : i32
    %scan3A_32 = arith.constant 13 : i32
    %scan3A_33 = arith.addi %scan3A_31, %scan3A_32 : i32
    %scan3A_34 = arith.constant 1 : i32
    scf.for %scan3A_43 = %scan3A_31 to %scan3A_33 step %scan3A_34  : i32 {
      %mul3A_44 = arith.constant 3 : i32
      %mul3A_45 = arith.muli %scan3A_43, %mul3A_44 : i32
      %add3A_46 = arith.constant 0 : i32
      %add3A_47 = arith.addi %mul3A_45, %add3A_46 : i32
      %dma_wait3A = arith.constant 0 : i32
      %dma_wait3A_48 = tpu.memref_slice %arg7[%add3A_47, %dma_wait3A] : memref<39x256xi32, #tpu.memory_space<vmem>> -> memref<1x256xi32, #tpu.memory_space<vmem>>
      %dma_wait3A_49 = tpu.memref_squeeze %dma_wait3A_48 : memref<1x256xi32, #tpu.memory_space<vmem>> -> memref<256xi32, #tpu.memory_space<vmem>>
      %dma_wait3A_50 = arith.constant 0 : i32
      %dma_wait3A_51 = arith.constant 0 : i32
      %dma_wait3A_52 = tpu.memref_slice %arg21[%dma_wait3A_50, %dma_wait3A_51] : memref<10000x16xf32, #tpu.memory_space<vmem_shared>> -> memref<10000x16xf32, #tpu.memory_space<vmem_shared>>
      tpu.wait_indirect_dma semaphore(%arg15 : memref<!tpu.dma_semaphore, #tpu.memory_space<semaphore_mem>>) src(%dma_wait3A_52 : memref<10000x16xf32, #tpu.memory_space<vmem_shared>>) dst(%arg11 : memref<256x16xf32, #tpu.memory_space<vmem>>)
      %dma_start3A_53 = arith.constant 0 : i32
      %dma_start3A_54 = tpu.memref_slice %arg8[%add3A_47, %dma_start3A_53] : memref<39x256xi32, #tpu.memory_space<vmem>> -> memref<1x256xi32, #tpu.memory_space<vmem>>
      %dma_start3A_55 = tpu.memref_squeeze %dma_start3A_54 : memref<1x256xi32, #tpu.memory_space<vmem>> -> memref<256xi32, #tpu.memory_space<vmem>>
      %dma_start3A_56 = arith.constant 0 : i32
      %dma_start3A_57 = arith.constant 0 : i32
      %dma_start3A_58 = tpu.memref_slice %arg14[%dma_start3A_56, %dma_start3A_57] : memref<80384x16xf32, #tpu.memory_space<vmem_shared>> -> memref<80384x16xf32, #tpu.memory_space<vmem_shared>>
      tpu.enqueue_indirect_dma source(%arg11 : memref<256x16xf32, #tpu.memory_space<vmem>>) target(%dma_start3A_58 : memref<80384x16xf32, #tpu.memory_space<vmem_shared>>) offsets(%dma_start3A_55 : memref<256xi32, #tpu.memory_space<vmem>>) semaphore(%arg18 : memref<!tpu.dma_semaphore, #tpu.memory_space<semaphore_mem>>) {add = true}
      %add3A_59 = arith.constant 1 : i32
      %add3A_60 = arith.addi %mul3A_45, %add3A_59 : i32
      %dma_wait3A_61 = arith.constant 0 : i32
      %dma_wait3A_62 = tpu.memref_slice %arg7[%add3A_60, %dma_wait3A_61] : memref<39x256xi32, #tpu.memory_space<vmem>> -> memref<1x256xi32, #tpu.memory_space<vmem>>
      %dma_wait3A_63 = tpu.memref_squeeze %dma_wait3A_62 : memref<1x256xi32, #tpu.memory_space<vmem>> -> memref<256xi32, #tpu.memory_space<vmem>>
      %dma_wait3A_64 = arith.constant 0 : i32
      %dma_wait3A_65 = arith.constant 0 : i32
      %dma_wait3A_66 = tpu.memref_slice %arg21[%dma_wait3A_64, %dma_wait3A_65] : memref<10000x16xf32, #tpu.memory_space<vmem_shared>> -> memref<10000x16xf32, #tpu.memory_space<vmem_shared>>
      tpu.wait_indirect_dma semaphore(%arg16 : memref<!tpu.dma_semaphore, #tpu.memory_space<semaphore_mem>>) src(%dma_wait3A_66 : memref<10000x16xf32, #tpu.memory_space<vmem_shared>>) dst(%arg12 : memref<256x16xf32, #tpu.memory_space<vmem>>)
      %dma_start3A_67 = arith.constant 0 : i32
      %dma_start3A_68 = tpu.memref_slice %arg8[%add3A_60, %dma_start3A_67] : memref<39x256xi32, #tpu.memory_space<vmem>> -> memref<1x256xi32, #tpu.memory_space<vmem>>
      %dma_start3A_69 = tpu.memref_squeeze %dma_start3A_68 : memref<1x256xi32, #tpu.memory_space<vmem>> -> memref<256xi32, #tpu.memory_space<vmem>>
      %dma_start3A_70 = arith.constant 0 : i32
      %dma_start3A_71 = arith.constant 0 : i32
      %dma_start3A_72 = tpu.memref_slice %arg14[%dma_start3A_70, %dma_start3A_71] : memref<80384x16xf32, #tpu.memory_space<vmem_shared>> -> memref<80384x16xf32, #tpu.memory_space<vmem_shared>>
      tpu.enqueue_indirect_dma source(%arg12 : memref<256x16xf32, #tpu.memory_space<vmem>>) target(%dma_start3A_72 : memref<80384x16xf32, #tpu.memory_space<vmem_shared>>) offsets(%dma_start3A_69 : memref<256xi32, #tpu.memory_space<vmem>>) semaphore(%arg19 : memref<!tpu.dma_semaphore, #tpu.memory_space<semaphore_mem>>) {add = true}
      %add3A_73 = arith.constant 2 : i32
      %add3A_74 = arith.addi %mul3A_45, %add3A_73 : i32
      %dma_wait3A_75 = arith.constant 0 : i32
      %dma_wait3A_76 = tpu.memref_slice %arg7[%add3A_74, %dma_wait3A_75] : memref<39x256xi32, #tpu.memory_space<vmem>> -> memref<1x256xi32, #tpu.memory_space<vmem>>
      %dma_wait3A_77 = tpu.memref_squeeze %dma_wait3A_76 : memref<1x256xi32, #tpu.memory_space<vmem>> -> memref<256xi32, #tpu.memory_space<vmem>>
      %dma_wait3A_78 = arith.constant 0 : i32
      %dma_wait3A_79 = arith.constant 0 : i32
      %dma_wait3A_80 = tpu.memref_slice %arg21[%dma_wait3A_78, %dma_wait3A_79] : memref<10000x16xf32, #tpu.memory_space<vmem_shared>> -> memref<10000x16xf32, #tpu.memory_space<vmem_shared>>
      tpu.wait_indirect_dma semaphore(%arg17 : memref<!tpu.dma_semaphore, #tpu.memory_space<semaphore_mem>>) src(%dma_wait3A_80 : memref<10000x16xf32, #tpu.memory_space<vmem_shared>>) dst(%arg13 : memref<256x16xf32, #tpu.memory_space<vmem>>)
      %dma_start3A_81 = arith.constant 0 : i32
      %dma_start3A_82 = tpu.memref_slice %arg8[%add3A_74, %dma_start3A_81] : memref<39x256xi32, #tpu.memory_space<vmem>> -> memref<1x256xi32, #tpu.memory_space<vmem>>
      %dma_start3A_83 = tpu.memref_squeeze %dma_start3A_82 : memref<1x256xi32, #tpu.memory_space<vmem>> -> memref<256xi32, #tpu.memory_space<vmem>>
      %dma_start3A_84 = arith.constant 0 : i32
      %dma_start3A_85 = arith.constant 0 : i32
      %dma_start3A_86 = tpu.memref_slice %arg14[%dma_start3A_84, %dma_start3A_85] : memref<80384x16xf32, #tpu.memory_space<vmem_shared>> -> memref<80384x16xf32, #tpu.memory_space<vmem_shared>>
      tpu.enqueue_indirect_dma source(%arg13 : memref<256x16xf32, #tpu.memory_space<vmem>>) target(%dma_start3A_86 : memref<80384x16xf32, #tpu.memory_space<vmem_shared>>) offsets(%dma_start3A_83 : memref<256xi32, #tpu.memory_space<vmem>>) semaphore(%arg20 : memref<!tpu.dma_semaphore, #tpu.memory_space<semaphore_mem>>) {add = true}
      %add3A_87 = arith.constant 0 : i32
      %add3A_88 = arith.addi %mul3A_45, %add3A_87 : i32
      %dma_wait3A_89 = arith.constant 0 : i32
      %dma_wait3A_90 = tpu.memref_slice %arg8[%add3A_88, %dma_wait3A_89] : memref<39x256xi32, #tpu.memory_space<vmem>> -> memref<1x256xi32, #tpu.memory_space<vmem>>
      %dma_wait3A_91 = tpu.memref_squeeze %dma_wait3A_90 : memref<1x256xi32, #tpu.memory_space<vmem>> -> memref<256xi32, #tpu.memory_space<vmem>>
      %dma_wait3A_92 = arith.constant 0 : i32
      %dma_wait3A_93 = arith.constant 0 : i32
      %dma_wait3A_94 = tpu.memref_slice %arg14[%dma_wait3A_92, %dma_wait3A_93] : memref<80384x16xf32, #tpu.memory_space<vmem_shared>> -> memref<80384x16xf32, #tpu.memory_space<vmem_shared>>
      tpu.wait_indirect_dma semaphore(%arg18 : memref<!tpu.dma_semaphore, #tpu.memory_space<semaphore_mem>>) src(%arg11 : memref<256x16xf32, #tpu.memory_space<vmem>>) dst(%dma_wait3A_94 : memref<80384x16xf32, #tpu.memory_space<vmem_shared>>)
      %add3A_95 = arith.constant 3 : i32
      %add3A_96 = arith.addi %add3A_88, %add3A_95 : i32
      %lt3A_97 = arith.constant 39 : i32
      %lt3A_98 = arith.cmpi slt, %add3A_96, %lt3A_97 : i32
      %convert_element_type3A_99 = arith.extui %lt3A_98 : i1 to i32
      %cond3A_100 = arith.constant 0 : i32
      %cond3A_101 = arith.cmpi ne, %convert_element_type3A_99, %cond3A_100 : i32
      scf.if %cond3A_101 {
        %add3A_132 = arith.constant 3 : i32
        %add3A_133 = arith.addi %add3A_88, %add3A_132 : i32
        %dma_start3A_134 = arith.constant 0 : i32
        %dma_start3A_135 = tpu.memref_slice %arg7[%add3A_133, %dma_start3A_134] : memref<39x256xi32, #tpu.memory_space<vmem>> -> memref<1x256xi32, #tpu.memory_space<vmem>>
        %dma_start3A_136 = tpu.memref_squeeze %dma_start3A_135 : memref<1x256xi32, #tpu.memory_space<vmem>> -> memref<256xi32, #tpu.memory_space<vmem>>
        %dma_start3A_137 = arith.constant 0 : i32
        %dma_start3A_138 = arith.constant 0 : i32
        %dma_start3A_139 = tpu.memref_slice %arg21[%dma_start3A_137, %dma_start3A_138] : memref<10000x16xf32, #tpu.memory_space<vmem_shared>> -> memref<10000x16xf32, #tpu.memory_space<vmem_shared>>
        tpu.enqueue_indirect_dma source(%dma_start3A_139 : memref<10000x16xf32, #tpu.memory_space<vmem_shared>>) target(%arg11 : memref<256x16xf32, #tpu.memory_space<vmem>>) offsets(%dma_start3A_136 : memref<256xi32, #tpu.memory_space<vmem>>) semaphore(%arg15 : memref<!tpu.dma_semaphore, #tpu.memory_space<semaphore_mem>>)
      } else {
      }
      %add3A_102 = arith.constant 1 : i32
      %add3A_103 = arith.addi %mul3A_45, %add3A_102 : i32
      %dma_wait3A_104 = arith.constant 0 : i32
      %dma_wait3A_105 = tpu.memref_slice %arg8[%add3A_103, %dma_wait3A_104] : memref<39x256xi32, #tpu.memory_space<vmem>> -> memref<1x256xi32, #tpu.memory_space<vmem>>
      %dma_wait3A_106 = tpu.memref_squeeze %dma_wait3A_105 : memref<1x256xi32, #tpu.memory_space<vmem>> -> memref<256xi32, #tpu.memory_space<vmem>>
      %dma_wait3A_107 = arith.constant 0 : i32
      %dma_wait3A_108 = arith.constant 0 : i32
      %dma_wait3A_109 = tpu.memref_slice %arg14[%dma_wait3A_107, %dma_wait3A_108] : memref<80384x16xf32, #tpu.memory_space<vmem_shared>> -> memref<80384x16xf32, #tpu.memory_space<vmem_shared>>
      tpu.wait_indirect_dma semaphore(%arg19 : memref<!tpu.dma_semaphore, #tpu.memory_space<semaphore_mem>>) src(%arg12 : memref<256x16xf32, #tpu.memory_space<vmem>>) dst(%dma_wait3A_109 : memref<80384x16xf32, #tpu.memory_space<vmem_shared>>)
      %add3A_110 = arith.constant 3 : i32
      %add3A_111 = arith.addi %add3A_103, %add3A_110 : i32
      %lt3A_112 = arith.constant 39 : i32
      %lt3A_113 = arith.cmpi slt, %add3A_111, %lt3A_112 : i32
      %convert_element_type3A_114 = arith.extui %lt3A_113 : i1 to i32
      %cond3A_115 = arith.constant 0 : i32
      %cond3A_116 = arith.cmpi ne, %convert_element_type3A_114, %cond3A_115 : i32
      scf.if %cond3A_116 {
        %add3A_132 = arith.constant 3 : i32
        %add3A_133 = arith.addi %add3A_103, %add3A_132 : i32
        %dma_start3A_134 = arith.constant 0 : i32
        %dma_start3A_135 = tpu.memref_slice %arg7[%add3A_133, %dma_start3A_134] : memref<39x256xi32, #tpu.memory_space<vmem>> -> memref<1x256xi32, #tpu.memory_space<vmem>>
        %dma_start3A_136 = tpu.memref_squeeze %dma_start3A_135 : memref<1x256xi32, #tpu.memory_space<vmem>> -> memref<256xi32, #tpu.memory_space<vmem>>
        %dma_start3A_137 = arith.constant 0 : i32
        %dma_start3A_138 = arith.constant 0 : i32
        %dma_start3A_139 = tpu.memref_slice %arg21[%dma_start3A_137, %dma_start3A_138] : memref<10000x16xf32, #tpu.memory_space<vmem_shared>> -> memref<10000x16xf32, #tpu.memory_space<vmem_shared>>
        tpu.enqueue_indirect_dma source(%dma_start3A_139 : memref<10000x16xf32, #tpu.memory_space<vmem_shared>>) target(%arg12 : memref<256x16xf32, #tpu.memory_space<vmem>>) offsets(%dma_start3A_136 : memref<256xi32, #tpu.memory_space<vmem>>) semaphore(%arg16 : memref<!tpu.dma_semaphore, #tpu.memory_space<semaphore_mem>>)
      } else {
      }
      %add3A_117 = arith.constant 2 : i32
      %add3A_118 = arith.addi %mul3A_45, %add3A_117 : i32
      %dma_wait3A_119 = arith.constant 0 : i32
      %dma_wait3A_120 = tpu.memref_slice %arg8[%add3A_118, %dma_wait3A_119] : memref<39x256xi32, #tpu.memory_space<vmem>> -> memref<1x256xi32, #tpu.memory_space<vmem>>
      %dma_wait3A_121 = tpu.memref_squeeze %dma_wait3A_120 : memref<1x256xi32, #tpu.memory_space<vmem>> -> memref<256xi32, #tpu.memory_space<vmem>>
      %dma_wait3A_122 = arith.constant 0 : i32
      %dma_wait3A_123 = arith.constant 0 : i32
      %dma_wait3A_124 = tpu.memref_slice %arg14[%dma_wait3A_122, %dma_wait3A_123] : memref<80384x16xf32, #tpu.memory_space<vmem_shared>> -> memref<80384x16xf32, #tpu.memory_space<vmem_shared>>
      tpu.wait_indirect_dma semaphore(%arg20 : memref<!tpu.dma_semaphore, #tpu.memory_space<semaphore_mem>>) src(%arg13 : memref<256x16xf32, #tpu.memory_space<vmem>>) dst(%dma_wait3A_124 : memref<80384x16xf32, #tpu.memory_space<vmem_shared>>)
      %add3A_125 = arith.constant 3 : i32
      %add3A_126 = arith.addi %add3A_118, %add3A_125 : i32
      %lt3A_127 = arith.constant 39 : i32
      %lt3A_128 = arith.cmpi slt, %add3A_126, %lt3A_127 : i32
      %convert_element_type3A_129 = arith.extui %lt3A_128 : i1 to i32
      %cond3A_130 = arith.constant 0 : i32
      %cond3A_131 = arith.cmpi ne, %convert_element_type3A_129, %cond3A_130 : i32
      scf.if %cond3A_131 {
        %add3A_132 = arith.constant 3 : i32
        %add3A_133 = arith.addi %add3A_118, %add3A_132 : i32
        %dma_start3A_134 = arith.constant 0 : i32
        %dma_start3A_135 = tpu.memref_slice %arg7[%add3A_133, %dma_start3A_134] : memref<39x256xi32, #tpu.memory_space<vmem>> -> memref<1x256xi32, #tpu.memory_space<vmem>>
        %dma_start3A_136 = tpu.memref_squeeze %dma_start3A_135 : memref<1x256xi32, #tpu.memory_space<vmem>> -> memref<256xi32, #tpu.memory_space<vmem>>
        %dma_start3A_137 = arith.constant 0 : i32
        %dma_start3A_138 = arith.constant 0 : i32
        %dma_start3A_139 = tpu.memref_slice %arg21[%dma_start3A_137, %dma_start3A_138] : memref<10000x16xf32, #tpu.memory_space<vmem_shared>> -> memref<10000x16xf32, #tpu.memory_space<vmem_shared>>
        tpu.enqueue_indirect_dma source(%dma_start3A_139 : memref<10000x16xf32, #tpu.memory_space<vmem_shared>>) target(%arg13 : memref<256x16xf32, #tpu.memory_space<vmem>>) offsets(%dma_start3A_136 : memref<256xi32, #tpu.memory_space<vmem>>) semaphore(%arg17 : memref<!tpu.dma_semaphore, #tpu.memory_space<semaphore_mem>>)
      } else {
      }
    }
    %scan3A_35 = arith.constant 13 : i32
    %lt3A = arith.constant 2 : i32
    %lt3A_36 = arith.cmpi slt, %add3A, %lt3A : i32
    %convert_element_type3A = arith.extui %lt3A_36 : i1 to i32
    %cond3A = arith.constant 0 : i32
    %cond3A_37 = arith.cmpi ne, %convert_element_type3A, %cond3A : i32
    scf.if %cond3A_37 {
      %add3A_43 = arith.constant 1248 : i32
      %add3A_44 = arith.addi %add3A_43, %add3A : i32
      "tpu.region"() ({
        %run_scoped3A_48 = tpu.sem_alloc : memref<!tpu.dma_semaphore, #tpu.memory_space<semaphore_mem>>
        %dma_start3A_49 = arith.constant 0 : i32
        %dma_start3A_50 = tpu.memref_slice %arg3[%add3A_44, %dma_start3A_49] : memref<1250x256xi32, #tpu.memory_space<hbm>> -> memref<1x256xi32, #tpu.memory_space<hbm>>
        %dma_start3A_51 = arith.constant 0 : i32
        %dma_start3A_52 = tpu.memref_slice %arg3[%add3A_44, %dma_start3A_51] : memref<1250x256xi32, #tpu.memory_space<hbm>> -> memref<1x256xi32, #tpu.memory_space<hbm>>
        tpu.enqueue_dma source(%dma_start3A_52 : memref<1x256xi32, #tpu.memory_space<hbm>>) target(%arg9 : memref<1x256xi32, #tpu.memory_space<vmem>>) target_semaphore(%run_scoped3A_48 : memref<!tpu.dma_semaphore, #tpu.memory_space<semaphore_mem>>)
        %dma_wait3A = arith.constant 0 : i32
        %dma_wait3A_53 = tpu.memref_slice %arg3[%add3A_44, %dma_wait3A] : memref<1250x256xi32, #tpu.memory_space<hbm>> -> memref<1x256xi32, #tpu.memory_space<hbm>>
        %dma_wait3A_54 = arith.constant 0 : i32
        %dma_wait3A_55 = tpu.memref_slice %arg3[%add3A_44, %dma_wait3A_54] : memref<1250x256xi32, #tpu.memory_space<hbm>> -> memref<1x256xi32, #tpu.memory_space<hbm>>
        tpu.wait_dma2 semaphore(%run_scoped3A_48 : memref<!tpu.dma_semaphore, #tpu.memory_space<semaphore_mem>>) src(%dma_wait3A_55 : memref<1x256xi32, #tpu.memory_space<hbm>>) dst(%arg9 : memref<1x256xi32, #tpu.memory_space<vmem>>)
        tpu.yield
      }) : () -> ()
      %add3A_45 = arith.constant 1248 : i32
      %add3A_46 = arith.addi %add3A_45, %add3A : i32
      "tpu.region"() ({
        %run_scoped3A_48 = tpu.sem_alloc : memref<!tpu.dma_semaphore, #tpu.memory_space<semaphore_mem>>
        %dma_start3A_49 = arith.constant 0 : i32
        %dma_start3A_50 = tpu.memref_slice %arg4[%add3A_46, %dma_start3A_49] : memref<1250x256xi32, #tpu.memory_space<hbm>> -> memref<1x256xi32, #tpu.memory_space<hbm>>
        %dma_start3A_51 = arith.constant 0 : i32
        %dma_start3A_52 = tpu.memref_slice %arg4[%add3A_46, %dma_start3A_51] : memref<1250x256xi32, #tpu.memory_space<hbm>> -> memref<1x256xi32, #tpu.memory_space<hbm>>
        tpu.enqueue_dma source(%dma_start3A_52 : memref<1x256xi32, #tpu.memory_space<hbm>>) target(%arg10 : memref<1x256xi32, #tpu.memory_space<vmem>>) target_semaphore(%run_scoped3A_48 : memref<!tpu.dma_semaphore, #tpu.memory_space<semaphore_mem>>)
        %dma_wait3A = arith.constant 0 : i32
        %dma_wait3A_53 = tpu.memref_slice %arg4[%add3A_46, %dma_wait3A] : memref<1250x256xi32, #tpu.memory_space<hbm>> -> memref<1x256xi32, #tpu.memory_space<hbm>>
        %dma_wait3A_54 = arith.constant 0 : i32
        %dma_wait3A_55 = tpu.memref_slice %arg4[%add3A_46, %dma_wait3A_54] : memref<1250x256xi32, #tpu.memory_space<hbm>> -> memref<1x256xi32, #tpu.memory_space<hbm>>
        tpu.wait_dma2 semaphore(%run_scoped3A_48 : memref<!tpu.dma_semaphore, #tpu.memory_space<semaphore_mem>>) src(%dma_wait3A_55 : memref<1x256xi32, #tpu.memory_space<hbm>>) dst(%arg10 : memref<1x256xi32, #tpu.memory_space<vmem>>)
        tpu.yield
      }) : () -> ()
      %run_scoped3A = arith.constant 0 : i32
      "tpu.region"() ({
        %run_scoped3A_48 = tpu.sem_alloc : memref<!tpu.dma_semaphore, #tpu.memory_space<semaphore_mem>>
        %dma_start3A_49 = arith.constant 0 : i32
        %dma_start3A_50 = tpu.memref_slice %arg9[%run_scoped3A, %dma_start3A_49] : memref<1x256xi32, #tpu.memory_space<vmem>> -> memref<1x256xi32, #tpu.memory_space<vmem>>
        %dma_start3A_51 = tpu.memref_squeeze %dma_start3A_50 : memref<1x256xi32, #tpu.memory_space<vmem>> -> memref<256xi32, #tpu.memory_space<vmem>>
        %dma_start3A_52 = arith.constant 0 : i32
        %dma_start3A_53 = arith.constant 0 : i32
        %dma_start3A_54 = tpu.memref_slice %arg21[%dma_start3A_52, %dma_start3A_53] : memref<10000x16xf32, #tpu.memory_space<vmem_shared>> -> memref<10000x16xf32, #tpu.memory_space<vmem_shared>>
        tpu.enqueue_indirect_dma source(%dma_start3A_54 : memref<10000x16xf32, #tpu.memory_space<vmem_shared>>) target(%arg11 : memref<256x16xf32, #tpu.memory_space<vmem>>) offsets(%dma_start3A_51 : memref<256xi32, #tpu.memory_space<vmem>>) semaphore(%run_scoped3A_48 : memref<!tpu.dma_semaphore, #tpu.memory_space<semaphore_mem>>)
        %dma_wait3A = arith.constant 0 : i32
        %dma_wait3A_55 = tpu.memref_slice %arg9[%run_scoped3A, %dma_wait3A] : memref<1x256xi32, #tpu.memory_space<vmem>> -> memref<1x256xi32, #tpu.memory_space<vmem>>
        %dma_wait3A_56 = tpu.memref_squeeze %dma_wait3A_55 : memref<1x256xi32, #tpu.memory_space<vmem>> -> memref<256xi32, #tpu.memory_space<vmem>>
        %dma_wait3A_57 = arith.constant 0 : i32
        %dma_wait3A_58 = arith.constant 0 : i32
        %dma_wait3A_59 = tpu.memref_slice %arg21[%dma_wait3A_57, %dma_wait3A_58] : memref<10000x16xf32, #tpu.memory_space<vmem_shared>> -> memref<10000x16xf32, #tpu.memory_space<vmem_shared>>
        tpu.wait_indirect_dma semaphore(%run_scoped3A_48 : memref<!tpu.dma_semaphore, #tpu.memory_space<semaphore_mem>>) src(%dma_wait3A_59 : memref<10000x16xf32, #tpu.memory_space<vmem_shared>>) dst(%arg11 : memref<256x16xf32, #tpu.memory_space<vmem>>)
        tpu.yield
      }) : () -> ()
      %run_scoped3A_47 = arith.constant 0 : i32
      "tpu.region"() ({
        %run_scoped3A_48 = tpu.sem_alloc : memref<!tpu.dma_semaphore, #tpu.memory_space<semaphore_mem>>
        %dma_start3A_49 = arith.constant 0 : i32
        %dma_start3A_50 = tpu.memref_slice %arg10[%run_scoped3A_47, %dma_start3A_49] : memref<1x256xi32, #tpu.memory_space<vmem>> -> memref<1x256xi32, #tpu.memory_space<vmem>>
        %dma_start3A_51 = tpu.memref_squeeze %dma_start3A_50 : memref<1x256xi32, #tpu.memory_space<vmem>> -> memref<256xi32, #tpu.memory_space<vmem>>
        %dma_start3A_52 = arith.constant 0 : i32
        %dma_start3A_53 = arith.constant 0 : i32
        %dma_start3A_54 = tpu.memref_slice %arg14[%dma_start3A_52, %dma_start3A_53] : memref<80384x16xf32, #tpu.memory_space<vmem_shared>> -> memref<80384x16xf32, #tpu.memory_space<vmem_shared>>
        tpu.enqueue_indirect_dma source(%arg11 : memref<256x16xf32, #tpu.memory_space<vmem>>) target(%dma_start3A_54 : memref<80384x16xf32, #tpu.memory_space<vmem_shared>>) offsets(%dma_start3A_51 : memref<256xi32, #tpu.memory_space<vmem>>) semaphore(%run_scoped3A_48 : memref<!tpu.dma_semaphore, #tpu.memory_space<semaphore_mem>>) {add = true}
        %dma_wait3A = arith.constant 0 : i32
        %dma_wait3A_55 = tpu.memref_slice %arg10[%run_scoped3A_47, %dma_wait3A] : memref<1x256xi32, #tpu.memory_space<vmem>> -> memref<1x256xi32, #tpu.memory_space<vmem>>
        %dma_wait3A_56 = tpu.memref_squeeze %dma_wait3A_55 : memref<1x256xi32, #tpu.memory_space<vmem>> -> memref<256xi32, #tpu.memory_space<vmem>>
        %dma_wait3A_57 = arith.constant 0 : i32
        %dma_wait3A_58 = arith.constant 0 : i32
        %dma_wait3A_59 = tpu.memref_slice %arg14[%dma_wait3A_57, %dma_wait3A_58] : memref<80384x16xf32, #tpu.memory_space<vmem_shared>> -> memref<80384x16xf32, #tpu.memory_space<vmem_shared>>
        tpu.wait_indirect_dma semaphore(%run_scoped3A_48 : memref<!tpu.dma_semaphore, #tpu.memory_space<semaphore_mem>>) src(%arg11 : memref<256x16xf32, #tpu.memory_space<vmem>>) dst(%dma_wait3A_59 : memref<80384x16xf32, #tpu.memory_space<vmem_shared>>)
        tpu.yield
      }) : () -> ()
    } else {
    }
    %barrier3A_38 = arith.constant 0 : index
    tpu.barrier barrier_id(%barrier3A_38)
    %mul3A_39 = arith.constant 5024 : i32
    %mul3A_40 = arith.muli %arg1, %mul3A_39 : i32
    %mul3A_41 = arith.constant 5024 : i32
    %mul3A_42 = arith.muli %arg1, %mul3A_41 : i32
    "tpu.region"() ({
      %run_scoped3A = tpu.sem_alloc : memref<!tpu.dma_semaphore, #tpu.memory_space<semaphore_mem>>
      %dma_start3A_43 = arith.constant 0 : i32
      %dma_start3A_44 = tpu.memref_slice %arg6[%arg0, %mul3A_42, %dma_start3A_43] : memref<2x80384x16xf32, #tpu.memory_space<hbm>> -> memref<1x5024x16xf32, #tpu.memory_space<hbm>>
      %dma_start3A_45 = tpu.memref_squeeze %dma_start3A_44 : memref<1x5024x16xf32, #tpu.memory_space<hbm>> -> memref<5024x16xf32, #tpu.memory_space<hbm>>
      %dma_start3A_46 = arith.constant 0 : i32
      %dma_start3A_47 = tpu.memref_slice %arg14[%mul3A_40, %dma_start3A_46] : memref<80384x16xf32, #tpu.memory_space<vmem_shared>> -> memref<5024x16xf32, #tpu.memory_space<vmem_shared>>
      tpu.enqueue_dma source(%dma_start3A_47 : memref<5024x16xf32, #tpu.memory_space<vmem_shared>>) target(%dma_start3A_45 : memref<5024x16xf32, #tpu.memory_space<hbm>>) target_semaphore(%run_scoped3A : memref<!tpu.dma_semaphore, #tpu.memory_space<semaphore_mem>>)
      %dma_wait3A = arith.constant 0 : i32
      %dma_wait3A_48 = tpu.memref_slice %arg6[%arg0, %mul3A_42, %dma_wait3A] : memref<2x80384x16xf32, #tpu.memory_space<hbm>> -> memref<1x5024x16xf32, #tpu.memory_space<hbm>>
      %dma_wait3A_49 = tpu.memref_squeeze %dma_wait3A_48 : memref<1x5024x16xf32, #tpu.memory_space<hbm>> -> memref<5024x16xf32, #tpu.memory_space<hbm>>
      %dma_wait3A_50 = arith.constant 0 : i32
      %dma_wait3A_51 = tpu.memref_slice %arg14[%mul3A_40, %dma_wait3A_50] : memref<80384x16xf32, #tpu.memory_space<vmem_shared>> -> memref<5024x16xf32, #tpu.memory_space<vmem_shared>>
      tpu.wait_dma2 semaphore(%run_scoped3A : memref<!tpu.dma_semaphore, #tpu.memory_space<semaphore_mem>>) src(%dma_wait3A_51 : memref<5024x16xf32, #tpu.memory_space<vmem_shared>>) dst(%dma_wait3A_49 : memref<5024x16xf32, #tpu.memory_space<hbm>>)
      tpu.yield
    }) : () -> ()
    return
  }
}

module attributes {stable_mosaic.version = 14 : i64} {
  func.func @_prep_body(%arg0: memref<2500x128xi32, #tpu.memory_space<vmem>>, %arg1: memref<2500x128xi32, #tpu.memory_space<vmem>>, %arg2: memref<2500x128xi32, #tpu.memory_space<vmem>>, %arg3: memref<10000x128xf32, #tpu.memory_space<vmem>>, %arg4: memref<128x128xf32, #tpu.memory_space<vmem>>, %arg5: memref<2500x128xi32, #tpu.memory_space<vmem>>, %arg6: memref<2500x128xi32, #tpu.memory_space<vmem>>, %arg7: memref<10000x128xf32, #tpu.memory_space<vmem>>) attributes {dimension_semantics = [], scalar_prefetch = 0 : i64, scratch_operands = 0 : i64, tpu.core_type = #tpu.core_type<tc>} {
    %get3A = arith.constant 0 : index
    %get3A_0 = arith.constant 0 : index
    %get3A_1 = vector.load %arg2[%get3A, %get3A_0] : memref<2500x128xi32, #tpu.memory_space<vmem>>, vector<2500x128xi32>
    %get3A_2 = arith.constant 0 : index
    %get3A_3 = arith.constant 0 : index
    %get3A_4 = vector.load %arg0[%get3A_2, %get3A_3] : memref<2500x128xi32, #tpu.memory_space<vmem>>, vector<2500x128xi32>
    %mul3A = arith.constant 8 : i32
    %mul3A_5 = vector.broadcast %mul3A : i32 to vector<2500x128xi32>
    %mul3A_6 = arith.muli %get3A_4, %mul3A_5 : vector<2500x128xi32>
    %add3A = arith.addi %mul3A_6, %get3A_1 : vector<2500x128xi32>
    %swap3A = arith.constant 0 : index
    %swap3A_7 = arith.constant 0 : index
    %swap3A_8 = vector.load %arg5[%swap3A, %swap3A_7] : memref<2500x128xi32, #tpu.memory_space<vmem>>, vector<2500x128xi32>
    tpu.vector_store %arg5[%swap3A, %swap3A_7], %add3A {strides = array<i32>} : memref<2500x128xi32, #tpu.memory_space<vmem>>, vector<2500x128xi32>,
    %mul3A_9 = arith.constant 10048 : i32
    %mul3A_10 = vector.broadcast %mul3A_9 : i32 to vector<2500x128xi32>
    %mul3A_11 = arith.muli %get3A_1, %mul3A_10 : vector<2500x128xi32>
    %get3A_12 = arith.constant 0 : index
    %get3A_13 = arith.constant 0 : index
    %get3A_14 = vector.load %arg1[%get3A_12, %get3A_13] : memref<2500x128xi32, #tpu.memory_space<vmem>>, vector<2500x128xi32>
    %add3A_15 = arith.addi %mul3A_11, %get3A_14 : vector<2500x128xi32>
    %swap3A_16 = arith.constant 0 : index
    %swap3A_17 = arith.constant 0 : index
    %swap3A_18 = vector.load %arg6[%swap3A_16, %swap3A_17] : memref<2500x128xi32, #tpu.memory_space<vmem>>, vector<2500x128xi32>
    tpu.vector_store %arg6[%swap3A_16, %swap3A_17], %add3A_15 {strides = array<i32>} : memref<2500x128xi32, #tpu.memory_space<vmem>>, vector<2500x128xi32>,
    %get3A_19 = arith.constant 0 : index
    %get3A_20 = arith.constant 0 : index
    %get3A_21 = vector.load %arg3[%get3A_19, %get3A_20] : memref<10000x128xf32, #tpu.memory_space<vmem>>, vector<10000x128xf32>
    %get3A_22 = arith.constant 0 : index
    %get3A_23 = arith.constant 0 : index
    %get3A_24 = vector.load %arg4[%get3A_22, %get3A_23] : memref<128x128xf32, #tpu.memory_space<vmem>>, vector<128x128xf32>
    %dot_general3A = arith.constant dense<0.000000e+00> : vector<10000x128xf32>
    %dot_general3A_25 = tpu.matmul %get3A_21, %get3A_24, %dot_general3A {dimension_numbers = #tpu.dot_dimension_numbers<[1], [0], [0], [1], [0, 0, 1, 1], [], []>, transpose_lhs_hint = false} : vector<10000x128xf32>, vector<128x128xf32>, vector<10000x128xf32> -> vector<10000x128xf32>
    %swap3A_26 = arith.constant 0 : index
    %swap3A_27 = arith.constant 0 : index
    %swap3A_28 = vector.load %arg7[%swap3A_26, %swap3A_27] : memref<10000x128xf32, #tpu.memory_space<vmem>>, vector<10000x128xf32>
    tpu.vector_store %arg7[%swap3A_26, %swap3A_27], %dot_general3A_25 {strides = array<i32>} : memref<10000x128xf32, #tpu.memory_space<vmem>>, vector<10000x128xf32>,
    return
  }
}

module attributes {stable_mosaic.version = 14 : i64} {
  func.func @_comb1_body(%arg0: memref<2x10048x128xf32, #tpu.memory_space<vmem>>, %arg1: memref<2x628x128xf32, #tpu.memory_space<vmem>>, %arg2: memref<16x128x128xf32, #tpu.memory_space<vmem>>, %arg3: memref<10048x128xf32, #tpu.memory_space<vmem>>, %arg4: memref<1256x128xf32, #tpu.memory_space<vmem>>) attributes {dimension_semantics = [], scalar_prefetch = 0 : i64, scratch_operands = 0 : i64, tpu.core_type = #tpu.core_type<tc>} {
    %get3A = arith.constant 0 : index
    %get3A_0 = arith.constant 0 : index
    %get3A_1 = arith.constant 0 : index
    %get3A_2 = vector.load %arg1[%get3A, %get3A_0, %get3A_1] : memref<2x628x128xf32, #tpu.memory_space<vmem>>, vector<1x628x128xf32>
    %get3A_3 = vector.shape_cast %get3A_2 : vector<1x628x128xf32> to vector<628x128xf32>
    %get3A_4 = arith.constant 1 : index
    %get3A_5 = arith.constant 0 : index
    %get3A_6 = arith.constant 0 : index
    %get3A_7 = vector.load %arg1[%get3A_4, %get3A_5, %get3A_6] : memref<2x628x128xf32, #tpu.memory_space<vmem>>, vector<1x628x128xf32>
    %get3A_8 = vector.shape_cast %get3A_7 : vector<1x628x128xf32> to vector<628x128xf32>
    %add3A = arith.addf %get3A_3, %get3A_8 : vector<628x128xf32>
    %max3A = arith.constant 1.000000e+00 : f32
    %max3A_9 = vector.broadcast %max3A : f32 to vector<628x128xf32>
    %max3A_10 = arith.maximumf %add3A, %max3A_9 : vector<628x128xf32>
    %div3A = arith.constant 1.000000e+00 : f32
    %div3A_11 = vector.broadcast %div3A : f32 to vector<628x128xf32>
    %div3A_12 = arith.divf %div3A_11, %max3A_10 : vector<628x128xf32>
    %get3A_13 = arith.constant 0 : index
    %get3A_14 = arith.constant 0 : index
    %get3A_15 = arith.constant 0 : index
    %get3A_16 = vector.load %arg2[%get3A_13, %get3A_14, %get3A_15] : memref<16x128x128xf32, #tpu.memory_space<vmem>>, vector<1x128x128xf32>
    %get3A_17 = vector.shape_cast %get3A_16 : vector<1x128x128xf32> to vector<128x128xf32>
    %dot_general3A = arith.constant dense<0.000000e+00> : vector<628x128xf32>
    %dot_general3A_18 = tpu.matmul %div3A_12, %get3A_17, %dot_general3A {dimension_numbers = #tpu.dot_dimension_numbers<[1], [0], [0], [1], [0, 0, 1, 1], [], []>, transpose_lhs_hint = false} : vector<628x128xf32>, vector<128x128xf32>, vector<628x128xf32> -> vector<628x128xf32>
    %get3A_19 = arith.constant 1 : index
    %get3A_20 = arith.constant 0 : index
    %get3A_21 = arith.constant 0 : index
    %get3A_22 = vector.load %arg2[%get3A_19, %get3A_20, %get3A_21] : memref<16x128x128xf32, #tpu.memory_space<vmem>>, vector<1x128x128xf32>
    %get3A_23 = vector.shape_cast %get3A_22 : vector<1x128x128xf32> to vector<128x128xf32>
    %dot_general3A_24 = arith.constant dense<0.000000e+00> : vector<628x128xf32>
    %dot_general3A_25 = tpu.matmul %div3A_12, %get3A_23, %dot_general3A_24 {dimension_numbers = #tpu.dot_dimension_numbers<[1], [0], [0], [1], [0, 0, 1, 1], [], []>, transpose_lhs_hint = false} : vector<628x128xf32>, vector<128x128xf32>, vector<628x128xf32> -> vector<628x128xf32>
    %get3A_26 = arith.constant 2 : index
    %get3A_27 = arith.constant 0 : index
    %get3A_28 = arith.constant 0 : index
    %get3A_29 = vector.load %arg2[%get3A_26, %get3A_27, %get3A_28] : memref<16x128x128xf32, #tpu.memory_space<vmem>>, vector<1x128x128xf32>
    %get3A_30 = vector.shape_cast %get3A_29 : vector<1x128x128xf32> to vector<128x128xf32>
    %dot_general3A_31 = arith.constant dense<0.000000e+00> : vector<628x128xf32>
    %dot_general3A_32 = tpu.matmul %div3A_12, %get3A_30, %dot_general3A_31 {dimension_numbers = #tpu.dot_dimension_numbers<[1], [0], [0], [1], [0, 0, 1, 1], [], []>, transpose_lhs_hint = false} : vector<628x128xf32>, vector<128x128xf32>, vector<628x128xf32> -> vector<628x128xf32>
    %get3A_33 = arith.constant 3 : index
    %get3A_34 = arith.constant 0 : index
    %get3A_35 = arith.constant 0 : index
    %get3A_36 = vector.load %arg2[%get3A_33, %get3A_34, %get3A_35] : memref<16x128x128xf32, #tpu.memory_space<vmem>>, vector<1x128x128xf32>
    %get3A_37 = vector.shape_cast %get3A_36 : vector<1x128x128xf32> to vector<128x128xf32>
    %dot_general3A_38 = arith.constant dense<0.000000e+00> : vector<628x128xf32>
    %dot_general3A_39 = tpu.matmul %div3A_12, %get3A_37, %dot_general3A_38 {dimension_numbers = #tpu.dot_dimension_numbers<[1], [0], [0], [1], [0, 0, 1, 1], [], []>, transpose_lhs_hint = false} : vector<628x128xf32>, vector<128x128xf32>, vector<628x128xf32> -> vector<628x128xf32>
    %get3A_40 = arith.constant 4 : index
    %get3A_41 = arith.constant 0 : index
    %get3A_42 = arith.constant 0 : index
    %get3A_43 = vector.load %arg2[%get3A_40, %get3A_41, %get3A_42] : memref<16x128x128xf32, #tpu.memory_space<vmem>>, vector<1x128x128xf32>
    %get3A_44 = vector.shape_cast %get3A_43 : vector<1x128x128xf32> to vector<128x128xf32>
    %dot_general3A_45 = arith.constant dense<0.000000e+00> : vector<628x128xf32>
    %dot_general3A_46 = tpu.matmul %div3A_12, %get3A_44, %dot_general3A_45 {dimension_numbers = #tpu.dot_dimension_numbers<[1], [0], [0], [1], [0, 0, 1, 1], [], []>, transpose_lhs_hint = false} : vector<628x128xf32>, vector<128x128xf32>, vector<628x128xf32> -> vector<628x128xf32>
    %get3A_47 = arith.constant 5 : index
    %get3A_48 = arith.constant 0 : index
    %get3A_49 = arith.constant 0 : index
    %get3A_50 = vector.load %arg2[%get3A_47, %get3A_48, %get3A_49] : memref<16x128x128xf32, #tpu.memory_space<vmem>>, vector<1x128x128xf32>
    %get3A_51 = vector.shape_cast %get3A_50 : vector<1x128x128xf32> to vector<128x128xf32>
    %dot_general3A_52 = arith.constant dense<0.000000e+00> : vector<628x128xf32>
    %dot_general3A_53 = tpu.matmul %div3A_12, %get3A_51, %dot_general3A_52 {dimension_numbers = #tpu.dot_dimension_numbers<[1], [0], [0], [1], [0, 0, 1, 1], [], []>, transpose_lhs_hint = false} : vector<628x128xf32>, vector<128x128xf32>, vector<628x128xf32> -> vector<628x128xf32>
    %get3A_54 = arith.constant 6 : index
    %get3A_55 = arith.constant 0 : index
    %get3A_56 = arith.constant 0 : index
    %get3A_57 = vector.load %arg2[%get3A_54, %get3A_55, %get3A_56] : memref<16x128x128xf32, #tpu.memory_space<vmem>>, vector<1x128x128xf32>
    %get3A_58 = vector.shape_cast %get3A_57 : vector<1x128x128xf32> to vector<128x128xf32>
    %dot_general3A_59 = arith.constant dense<0.000000e+00> : vector<628x128xf32>
    %dot_general3A_60 = tpu.matmul %div3A_12, %get3A_58, %dot_general3A_59 {dimension_numbers = #tpu.dot_dimension_numbers<[1], [0], [0], [1], [0, 0, 1, 1], [], []>, transpose_lhs_hint = false} : vector<628x128xf32>, vector<128x128xf32>, vector<628x128xf32> -> vector<628x128xf32>
    %get3A_61 = arith.constant 7 : index
    %get3A_62 = arith.constant 0 : index
    %get3A_63 = arith.constant 0 : index
    %get3A_64 = vector.load %arg2[%get3A_61, %get3A_62, %get3A_63] : memref<16x128x128xf32, #tpu.memory_space<vmem>>, vector<1x128x128xf32>
    %get3A_65 = vector.shape_cast %get3A_64 : vector<1x128x128xf32> to vector<128x128xf32>
    %dot_general3A_66 = arith.constant dense<0.000000e+00> : vector<628x128xf32>
    %dot_general3A_67 = tpu.matmul %div3A_12, %get3A_65, %dot_general3A_66 {dimension_numbers = #tpu.dot_dimension_numbers<[1], [0], [0], [1], [0, 0, 1, 1], [], []>, transpose_lhs_hint = false} : vector<628x128xf32>, vector<128x128xf32>, vector<628x128xf32> -> vector<628x128xf32>
    %get3A_68 = arith.constant 8 : index
    %get3A_69 = arith.constant 0 : index
    %get3A_70 = arith.constant 0 : index
    %get3A_71 = vector.load %arg2[%get3A_68, %get3A_69, %get3A_70] : memref<16x128x128xf32, #tpu.memory_space<vmem>>, vector<1x128x128xf32>
    %get3A_72 = vector.shape_cast %get3A_71 : vector<1x128x128xf32> to vector<128x128xf32>
    %dot_general3A_73 = arith.constant dense<0.000000e+00> : vector<628x128xf32>
    %dot_general3A_74 = tpu.matmul %div3A_12, %get3A_72, %dot_general3A_73 {dimension_numbers = #tpu.dot_dimension_numbers<[1], [0], [0], [1], [0, 0, 1, 1], [], []>, transpose_lhs_hint = false} : vector<628x128xf32>, vector<128x128xf32>, vector<628x128xf32> -> vector<628x128xf32>
    %get3A_75 = arith.constant 9 : index
    %get3A_76 = arith.constant 0 : index
    %get3A_77 = arith.constant 0 : index
    %get3A_78 = vector.load %arg2[%get3A_75, %get3A_76, %get3A_77] : memref<16x128x128xf32, #tpu.memory_space<vmem>>, vector<1x128x128xf32>
    %get3A_79 = vector.shape_cast %get3A_78 : vector<1x128x128xf32> to vector<128x128xf32>
    %dot_general3A_80 = arith.constant dense<0.000000e+00> : vector<628x128xf32>
    %dot_general3A_81 = tpu.matmul %div3A_12, %get3A_79, %dot_general3A_80 {dimension_numbers = #tpu.dot_dimension_numbers<[1], [0], [0], [1], [0, 0, 1, 1], [], []>, transpose_lhs_hint = false} : vector<628x128xf32>, vector<128x128xf32>, vector<628x128xf32> -> vector<628x128xf32>
    %get3A_82 = arith.constant 10 : index
    %get3A_83 = arith.constant 0 : index
    %get3A_84 = arith.constant 0 : index
    %get3A_85 = vector.load %arg2[%get3A_82, %get3A_83, %get3A_84] : memref<16x128x128xf32, #tpu.memory_space<vmem>>, vector<1x128x128xf32>
    %get3A_86 = vector.shape_cast %get3A_85 : vector<1x128x128xf32> to vector<128x128xf32>
    %dot_general3A_87 = arith.constant dense<0.000000e+00> : vector<628x128xf32>
    %dot_general3A_88 = tpu.matmul %div3A_12, %get3A_86, %dot_general3A_87 {dimension_numbers = #tpu.dot_dimension_numbers<[1], [0], [0], [1], [0, 0, 1, 1], [], []>, transpose_lhs_hint = false} : vector<628x128xf32>, vector<128x128xf32>, vector<628x128xf32> -> vector<628x128xf32>
    %get3A_89 = arith.constant 11 : index
    %get3A_90 = arith.constant 0 : index
    %get3A_91 = arith.constant 0 : index
    %get3A_92 = vector.load %arg2[%get3A_89, %get3A_90, %get3A_91] : memref<16x128x128xf32, #tpu.memory_space<vmem>>, vector<1x128x128xf32>
    %get3A_93 = vector.shape_cast %get3A_92 : vector<1x128x128xf32> to vector<128x128xf32>
    %dot_general3A_94 = arith.constant dense<0.000000e+00> : vector<628x128xf32>
    %dot_general3A_95 = tpu.matmul %div3A_12, %get3A_93, %dot_general3A_94 {dimension_numbers = #tpu.dot_dimension_numbers<[1], [0], [0], [1], [0, 0, 1, 1], [], []>, transpose_lhs_hint = false} : vector<628x128xf32>, vector<128x128xf32>, vector<628x128xf32> -> vector<628x128xf32>
    %get3A_96 = arith.constant 12 : index
    %get3A_97 = arith.constant 0 : index
    %get3A_98 = arith.constant 0 : index
    %get3A_99 = vector.load %arg2[%get3A_96, %get3A_97, %get3A_98] : memref<16x128x128xf32, #tpu.memory_space<vmem>>, vector<1x128x128xf32>
    %get3A_100 = vector.shape_cast %get3A_99 : vector<1x128x128xf32> to vector<128x128xf32>
    %dot_general3A_101 = arith.constant dense<0.000000e+00> : vector<628x128xf32>
    %dot_general3A_102 = tpu.matmul %div3A_12, %get3A_100, %dot_general3A_101 {dimension_numbers = #tpu.dot_dimension_numbers<[1], [0], [0], [1], [0, 0, 1, 1], [], []>, transpose_lhs_hint = false} : vector<628x128xf32>, vector<128x128xf32>, vector<628x128xf32> -> vector<628x128xf32>
    %get3A_103 = arith.constant 13 : index
    %get3A_104 = arith.constant 0 : index
    %get3A_105 = arith.constant 0 : index
    %get3A_106 = vector.load %arg2[%get3A_103, %get3A_104, %get3A_105] : memref<16x128x128xf32, #tpu.memory_space<vmem>>, vector<1x128x128xf32>
    %get3A_107 = vector.shape_cast %get3A_106 : vector<1x128x128xf32> to vector<128x128xf32>
    %dot_general3A_108 = arith.constant dense<0.000000e+00> : vector<628x128xf32>
    %dot_general3A_109 = tpu.matmul %div3A_12, %get3A_107, %dot_general3A_108 {dimension_numbers = #tpu.dot_dimension_numbers<[1], [0], [0], [1], [0, 0, 1, 1], [], []>, transpose_lhs_hint = false} : vector<628x128xf32>, vector<128x128xf32>, vector<628x128xf32> -> vector<628x128xf32>
    %get3A_110 = arith.constant 14 : index
    %get3A_111 = arith.constant 0 : index
    %get3A_112 = arith.constant 0 : index
    %get3A_113 = vector.load %arg2[%get3A_110, %get3A_111, %get3A_112] : memref<16x128x128xf32, #tpu.memory_space<vmem>>, vector<1x128x128xf32>
    %get3A_114 = vector.shape_cast %get3A_113 : vector<1x128x128xf32> to vector<128x128xf32>
    %dot_general3A_115 = arith.constant dense<0.000000e+00> : vector<628x128xf32>
    %dot_general3A_116 = tpu.matmul %div3A_12, %get3A_114, %dot_general3A_115 {dimension_numbers = #tpu.dot_dimension_numbers<[1], [0], [0], [1], [0, 0, 1, 1], [], []>, transpose_lhs_hint = false} : vector<628x128xf32>, vector<128x128xf32>, vector<628x128xf32> -> vector<628x128xf32>
    %get3A_117 = arith.constant 15 : index
    %get3A_118 = arith.constant 0 : index
    %get3A_119 = arith.constant 0 : index
    %get3A_120 = vector.load %arg2[%get3A_117, %get3A_118, %get3A_119] : memref<16x128x128xf32, #tpu.memory_space<vmem>>, vector<1x128x128xf32>
    %get3A_121 = vector.shape_cast %get3A_120 : vector<1x128x128xf32> to vector<128x128xf32>
    %dot_general3A_122 = arith.constant dense<0.000000e+00> : vector<628x128xf32>
    %dot_general3A_123 = tpu.matmul %div3A_12, %get3A_121, %dot_general3A_122 {dimension_numbers = #tpu.dot_dimension_numbers<[1], [0], [0], [1], [0, 0, 1, 1], [], []>, transpose_lhs_hint = false} : vector<628x128xf32>, vector<128x128xf32>, vector<628x128xf32> -> vector<628x128xf32>
    %stack3A = vector.shape_cast %dot_general3A_18 : vector<628x128xf32> to vector<628x1x128xf32>
    %stack3A_124 = vector.shape_cast %dot_general3A_25 : vector<628x128xf32> to vector<628x1x128xf32>
    %stack3A_125 = vector.shape_cast %dot_general3A_32 : vector<628x128xf32> to vector<628x1x128xf32>
    %stack3A_126 = vector.shape_cast %dot_general3A_39 : vector<628x128xf32> to vector<628x1x128xf32>
    %stack3A_127 = vector.shape_cast %dot_general3A_46 : vector<628x128xf32> to vector<628x1x128xf32>
    %stack3A_128 = vector.shape_cast %dot_general3A_53 : vector<628x128xf32> to vector<628x1x128xf32>
    %stack3A_129 = vector.shape_cast %dot_general3A_60 : vector<628x128xf32> to vector<628x1x128xf32>
    %stack3A_130 = vector.shape_cast %dot_general3A_67 : vector<628x128xf32> to vector<628x1x128xf32>
    %stack3A_131 = vector.shape_cast %dot_general3A_74 : vector<628x128xf32> to vector<628x1x128xf32>
    %stack3A_132 = vector.shape_cast %dot_general3A_81 : vector<628x128xf32> to vector<628x1x128xf32>
    %stack3A_133 = vector.shape_cast %dot_general3A_88 : vector<628x128xf32> to vector<628x1x128xf32>
    %stack3A_134 = vector.shape_cast %dot_general3A_95 : vector<628x128xf32> to vector<628x1x128xf32>
    %stack3A_135 = vector.shape_cast %dot_general3A_102 : vector<628x128xf32> to vector<628x1x128xf32>
    %stack3A_136 = vector.shape_cast %dot_general3A_109 : vector<628x128xf32> to vector<628x1x128xf32>
    %stack3A_137 = vector.shape_cast %dot_general3A_116 : vector<628x128xf32> to vector<628x1x128xf32>
    %stack3A_138 = vector.shape_cast %dot_general3A_123 : vector<628x128xf32> to vector<628x1x128xf32>
    %stack3A_139 = tpu.concatenate %stack3A, %stack3A_124, %stack3A_125, %stack3A_126, %stack3A_127, %stack3A_128, %stack3A_129, %stack3A_130, %stack3A_131, %stack3A_132, %stack3A_133, %stack3A_134, %stack3A_135, %stack3A_136, %stack3A_137, %stack3A_138 in 1 : vector<628x1x128xf32>, vector<628x1x128xf32>, vector<628x1x128xf32>, vector<628x1x128xf32>, vector<628x1x128xf32>, vector<628x1x128xf32>, vector<628x1x128xf32>, vector<628x1x128xf32>, vector<628x1x128xf32>, vector<628x1x128xf32>, vector<628x1x128xf32>, vector<628x1x128xf32>, vector<628x1x128xf32>, vector<628x1x128xf32>, vector<628x1x128xf32>, vector<628x1x128xf32> -> vector<628x16x128xf32>
    %reshape3A = vector.shape_cast %stack3A_139 : vector<628x16x128xf32> to vector<10048x128xf32>
    %swap3A = arith.constant 0 : index
    %swap3A_140 = arith.constant 0 : index
    %swap3A_141 = vector.load %arg3[%swap3A, %swap3A_140] : memref<10048x128xf32, #tpu.memory_space<vmem>>, vector<10048x128xf32>
    tpu.vector_store %arg3[%swap3A, %swap3A_140], %reshape3A {strides = array<i32>} : memref<10048x128xf32, #tpu.memory_space<vmem>>, vector<10048x128xf32>,
    %get3A_142 = arith.constant 0 : index
    %get3A_143 = arith.constant 0 : index
    %get3A_144 = arith.constant 0 : index
    %get3A_145 = vector.load %arg0[%get3A_142, %get3A_143, %get3A_144] : memref<2x10048x128xf32, #tpu.memory_space<vmem>>, vector<1x10048x128xf32>
    %get3A_146 = vector.shape_cast %get3A_145 : vector<1x10048x128xf32> to vector<10048x128xf32>
    %get3A_147 = arith.constant 1 : index
    %get3A_148 = arith.constant 0 : index
    %get3A_149 = arith.constant 0 : index
    %get3A_150 = vector.load %arg0[%get3A_147, %get3A_148, %get3A_149] : memref<2x10048x128xf32, #tpu.memory_space<vmem>>, vector<1x10048x128xf32>
    %get3A_151 = vector.shape_cast %get3A_150 : vector<1x10048x128xf32> to vector<10048x128xf32>
    %add3A_152 = arith.addf %get3A_146, %get3A_151 : vector<10048x128xf32>
    %mul3A = arith.mulf %add3A_152, %reshape3A : vector<10048x128xf32>
    %slice3A = vector.extract_strided_slice %mul3A {offsets = [0, 0], sizes = [1256, 128], strides = [1, 1]} : vector<10048x128xf32> to vector<1256x128xf32>
    %slice3A_153 = vector.extract_strided_slice %mul3A {offsets = [1256, 0], sizes = [1256, 128], strides = [1, 1]} : vector<10048x128xf32> to vector<1256x128xf32>
    %add3A_154 = arith.addf %slice3A, %slice3A_153 : vector<1256x128xf32>
    %slice3A_155 = vector.extract_strided_slice %mul3A {offsets = [2512, 0], sizes = [1256, 128], strides = [1, 1]} : vector<10048x128xf32> to vector<1256x128xf32>
    %add3A_156 = arith.addf %add3A_154, %slice3A_155 : vector<1256x128xf32>
    %slice3A_157 = vector.extract_strided_slice %mul3A {offsets = [3768, 0], sizes = [1256, 128], strides = [1, 1]} : vector<10048x128xf32> to vector<1256x128xf32>
    %add3A_158 = arith.addf %add3A_156, %slice3A_157 : vector<1256x128xf32>
    %slice3A_159 = vector.extract_strided_slice %mul3A {offsets = [5024, 0], sizes = [1256, 128], strides = [1, 1]} : vector<10048x128xf32> to vector<1256x128xf32>
    %add3A_160 = arith.addf %add3A_158, %slice3A_159 : vector<1256x128xf32>
    %slice3A_161 = vector.extract_strided_slice %mul3A {offsets = [6280, 0], sizes = [1256, 128], strides = [1, 1]} : vector<10048x128xf32> to vector<1256x128xf32>
    %add3A_162 = arith.addf %add3A_160, %slice3A_161 : vector<1256x128xf32>
    %slice3A_163 = vector.extract_strided_slice %mul3A {offsets = [7536, 0], sizes = [1256, 128], strides = [1, 1]} : vector<10048x128xf32> to vector<1256x128xf32>
    %add3A_164 = arith.addf %add3A_162, %slice3A_163 : vector<1256x128xf32>
    %slice3A_165 = vector.extract_strided_slice %mul3A {offsets = [8792, 0], sizes = [1256, 128], strides = [1, 1]} : vector<10048x128xf32> to vector<1256x128xf32>
    %add3A_166 = arith.addf %add3A_164, %slice3A_165 : vector<1256x128xf32>
    %swap3A_167 = arith.constant 0 : index
    %swap3A_168 = arith.constant 0 : index
    %swap3A_169 = vector.load %arg4[%swap3A_167, %swap3A_168] : memref<1256x128xf32, #tpu.memory_space<vmem>>, vector<1256x128xf32>
    tpu.vector_store %arg4[%swap3A_167, %swap3A_168], %add3A_166 {strides = array<i32>} : memref<1256x128xf32, #tpu.memory_space<vmem>>, vector<1256x128xf32>,
    return
  }
}

module attributes {stable_mosaic.version = 14 : i64} {
  func.func @_midb_body(%arg0: memref<1256x128xf32, #tpu.memory_space<vmem>>, %arg1: memref<1250x1024xf32, #tpu.memory_space<vmem>>, %arg2: memref<1024x128xf32, #tpu.memory_space<vmem>>, %arg3: memref<16xf32, #tpu.memory_space<vmem>>, %arg4: memref<16xf32, #tpu.memory_space<vmem>>, %arg5: memref<128x16xf32, #tpu.memory_space<vmem>>, %arg6: memref<16x128xf32, #tpu.memory_space<vmem>>, %arg7: memref<1250x128xf32, #tpu.memory_space<vmem>>) attributes {dimension_semantics = [], scalar_prefetch = 0 : i64, scratch_operands = 0 : i64, tpu.core_type = #tpu.core_type<tc>} {
    %get3A = arith.constant 0 : index
    %get3A_0 = arith.constant 0 : index
    %get3A_1 = vector.load %arg0[%get3A, %get3A_0] : memref<1256x128xf32, #tpu.memory_space<vmem>>, vector<1250x128xf32>
    %get3A_2 = arith.constant 0 : index
    %get3A_3 = arith.constant 0 : index
    %get3A_4 = vector.load %arg1[%get3A_2, %get3A_3] : memref<1250x1024xf32, #tpu.memory_space<vmem>>, vector<1250x1024xf32>
    %get3A_5 = arith.constant 0 : index
    %get3A_6 = arith.constant 0 : index
    %get3A_7 = vector.load %arg2[%get3A_5, %get3A_6] : memref<1024x128xf32, #tpu.memory_space<vmem>>, vector<1024x128xf32>
    %dot_general3A = arith.constant dense<0.000000e+00> : vector<1250x128xf32>
    %dot_general3A_8 = tpu.matmul %get3A_4, %get3A_7, %dot_general3A {dimension_numbers = #tpu.dot_dimension_numbers<[1], [0], [0], [1], [0, 0, 1, 1], [], []>, transpose_lhs_hint = false} : vector<1250x1024xf32>, vector<1024x128xf32>, vector<1250x128xf32> -> vector<1250x128xf32>
    %add3A = arith.addf %get3A_1, %dot_general3A_8 : vector<1250x128xf32>
    %reduce_sum3A = arith.constant dense<0.000000e+00> : vector<128xf32>
    %reduce_sum3A_9 = vector.multi_reduction <add>, %add3A, %reduce_sum3A [0] : vector<1250x128xf32> to vector<128xf32>
    %broadcast_in_dim3A = vector.shape_cast %reduce_sum3A_9 : vector<128xf32> to vector<1x128xf32>
    %mul3A = arith.mulf %add3A, %add3A : vector<1250x128xf32>
    %reduce_sum3A_10 = arith.constant dense<0.000000e+00> : vector<128xf32>
    %reduce_sum3A_11 = vector.multi_reduction <add>, %mul3A, %reduce_sum3A_10 [0] : vector<1250x128xf32> to vector<128xf32>
    %broadcast_in_dim3A_12 = vector.shape_cast %reduce_sum3A_11 : vector<128xf32> to vector<1x128xf32>
    %get3A_13 = arith.constant 0 : index
    %get3A_14 = arith.constant 0 : index
    %get3A_15 = vector.load %arg5[%get3A_13, %get3A_14] : memref<128x16xf32, #tpu.memory_space<vmem>>, vector<128x16xf32>
    %dot_general3A_16 = arith.constant dense<0.000000e+00> : vector<1x16xf32>
    %dot_general3A_17 = tpu.matmul %broadcast_in_dim3A, %get3A_15, %dot_general3A_16 {dimension_numbers = #tpu.dot_dimension_numbers<[1], [0], [0], [1], [0, 0, 1, 1], [], []>, transpose_lhs_hint = false} : vector<1x128xf32>, vector<128x16xf32>, vector<1x16xf32> -> vector<1x16xf32>
    %mul3A_18 = arith.constant 9.99999974E-5 : f32
    %mul3A_19 = vector.broadcast %mul3A_18 : f32 to vector<1x16xf32>
    %mul3A_20 = arith.mulf %dot_general3A_17, %mul3A_19 : vector<1x16xf32>
    %get3A_21 = arith.constant 0 : index
    %get3A_22 = arith.constant 0 : index
    %get3A_23 = vector.load %arg5[%get3A_21, %get3A_22] : memref<128x16xf32, #tpu.memory_space<vmem>>, vector<128x16xf32>
    %dot_general3A_24 = arith.constant dense<0.000000e+00> : vector<1x16xf32>
    %dot_general3A_25 = tpu.matmul %broadcast_in_dim3A_12, %get3A_23, %dot_general3A_24 {dimension_numbers = #tpu.dot_dimension_numbers<[1], [0], [0], [1], [0, 0, 1, 1], [], []>, transpose_lhs_hint = false} : vector<1x128xf32>, vector<128x16xf32>, vector<1x16xf32> -> vector<1x16xf32>
    %mul3A_26 = arith.constant 9.99999974E-5 : f32
    %mul3A_27 = vector.broadcast %mul3A_26 : f32 to vector<1x16xf32>
    %mul3A_28 = arith.mulf %dot_general3A_25, %mul3A_27 : vector<1x16xf32>
    %mul3A_29 = arith.mulf %mul3A_20, %mul3A_20 : vector<1x16xf32>
    %sub3A = arith.subf %mul3A_28, %mul3A_29 : vector<1x16xf32>
    %get3A_30 = arith.constant 0 : index
    %get3A_31 = vector.load %arg3[%get3A_30] : memref<16xf32, #tpu.memory_space<vmem>>, vector<16xf32>
    %add3A_32 = arith.constant 9.99999974E-6 : f32
    %add3A_33 = vector.broadcast %add3A_32 : f32 to vector<1x16xf32>
    %add3A_34 = arith.addf %sub3A, %add3A_33 : vector<1x16xf32>
    %rsqrt3A = math.rsqrt %add3A_34 : vector<1x16xf32>
    %broadcast_in_dim3A_35 = vector.shape_cast %get3A_31 : vector<16xf32> to vector<1x16xf32>
    %mul3A_36 = arith.mulf %broadcast_in_dim3A_35, %rsqrt3A : vector<1x16xf32>
    %get3A_37 = arith.constant 0 : index
    %get3A_38 = vector.load %arg4[%get3A_37] : memref<16xf32, #tpu.memory_space<vmem>>, vector<16xf32>
    %mul3A_39 = arith.mulf %mul3A_20, %mul3A_36 : vector<1x16xf32>
    %broadcast_in_dim3A_40 = vector.shape_cast %get3A_38 : vector<16xf32> to vector<1x16xf32>
    %sub3A_41 = arith.subf %broadcast_in_dim3A_40, %mul3A_39 : vector<1x16xf32>
    %get3A_42 = arith.constant 0 : index
    %get3A_43 = arith.constant 0 : index
    %get3A_44 = vector.load %arg6[%get3A_42, %get3A_43] : memref<16x128xf32, #tpu.memory_space<vmem>>, vector<16x128xf32>
    %dot_general3A_45 = arith.constant dense<0.000000e+00> : vector<1x128xf32>
    %dot_general3A_46 = tpu.matmul %mul3A_36, %get3A_44, %dot_general3A_45 {dimension_numbers = #tpu.dot_dimension_numbers<[1], [0], [0], [1], [0, 0, 1, 1], [], []>, transpose_lhs_hint = false} : vector<1x16xf32>, vector<16x128xf32>, vector<1x128xf32> -> vector<1x128xf32>
    %mul3A_47 = vector.broadcast %dot_general3A_46 : vector<1x128xf32> to vector<1250x128xf32>
    %mul3A_48 = arith.mulf %add3A, %mul3A_47 : vector<1250x128xf32>
    %get3A_49 = arith.constant 0 : index
    %get3A_50 = arith.constant 0 : index
    %get3A_51 = vector.load %arg6[%get3A_49, %get3A_50] : memref<16x128xf32, #tpu.memory_space<vmem>>, vector<16x128xf32>
    %dot_general3A_52 = arith.constant dense<0.000000e+00> : vector<1x128xf32>
    %dot_general3A_53 = tpu.matmul %sub3A_41, %get3A_51, %dot_general3A_52 {dimension_numbers = #tpu.dot_dimension_numbers<[1], [0], [0], [1], [0, 0, 1, 1], [], []>, transpose_lhs_hint = false} : vector<1x16xf32>, vector<16x128xf32>, vector<1x128xf32> -> vector<1x128xf32>
    %add3A_54 = vector.broadcast %dot_general3A_53 : vector<1x128xf32> to vector<1250x128xf32>
    %add3A_55 = arith.addf %mul3A_48, %add3A_54 : vector<1250x128xf32>
    %max3A = arith.constant 0.000000e+00 : f32
    %max3A_56 = vector.broadcast %max3A : f32 to vector<1250x128xf32>
    %max3A_57 = arith.maximumf %add3A_55, %max3A_56 : vector<1250x128xf32>
    %swap3A = arith.constant 0 : index
    %swap3A_58 = arith.constant 0 : index
    %swap3A_59 = vector.load %arg7[%swap3A, %swap3A_58] : memref<1250x128xf32, #tpu.memory_space<vmem>>, vector<1250x128xf32>
    tpu.vector_store %arg7[%swap3A, %swap3A_58], %max3A_57 {strides = array<i32>} : memref<1250x128xf32, #tpu.memory_space<vmem>>, vector<1250x128xf32>,
    return
  }
}

module attributes {stable_mosaic.version = 14 : i64} {
  func.func @_out_body(%arg0: memref<2x10048x128xf32, #tpu.memory_space<vmem>>, %arg1: memref<10048x128xf32, #tpu.memory_space<vmem>>, %arg2: memref<1250x128xf32, #tpu.memory_space<vmem>>, %arg3: memref<8x128x320xf32, #tpu.memory_space<vmem>>, %arg4: memref<128x320xf32, #tpu.memory_space<vmem>>, %arg5: memref<40xf32, #tpu.memory_space<vmem>>, %arg6: memref<40xf32, #tpu.memory_space<vmem>>, %arg7: memref<320x40xf32, #tpu.memory_space<vmem>>, %arg8: memref<40x320xf32, #tpu.memory_space<vmem>>, %arg9: memref<320x8xf32, #tpu.memory_space<vmem>>, %arg10: memref<8x320xf32, #tpu.memory_space<vmem>>, %arg11: memref<1250x320xf32, #tpu.memory_space<vmem>>) attributes {dimension_semantics = [], scalar_prefetch = 0 : i64, scratch_operands = 0 : i64, tpu.core_type = #tpu.core_type<tc>} {
    %get3A = arith.constant 0 : index
    %get3A_0 = arith.constant 0 : index
    %get3A_1 = arith.constant 0 : index
    %get3A_2 = vector.load %arg0[%get3A, %get3A_0, %get3A_1] : memref<2x10048x128xf32, #tpu.memory_space<vmem>>, vector<1x10048x128xf32>
    %get3A_3 = vector.shape_cast %get3A_2 : vector<1x10048x128xf32> to vector<10048x128xf32>
    %get3A_4 = arith.constant 1 : index
    %get3A_5 = arith.constant 0 : index
    %get3A_6 = arith.constant 0 : index
    %get3A_7 = vector.load %arg0[%get3A_4, %get3A_5, %get3A_6] : memref<2x10048x128xf32, #tpu.memory_space<vmem>>, vector<1x10048x128xf32>
    %get3A_8 = vector.shape_cast %get3A_7 : vector<1x10048x128xf32> to vector<10048x128xf32>
    %add3A = arith.addf %get3A_3, %get3A_8 : vector<10048x128xf32>
    %get3A_9 = arith.constant 0 : index
    %get3A_10 = arith.constant 0 : index
    %get3A_11 = vector.load %arg1[%get3A_9, %get3A_10] : memref<10048x128xf32, #tpu.memory_space<vmem>>, vector<10048x128xf32>
    %mul3A = arith.mulf %add3A, %get3A_11 : vector<10048x128xf32>
    %get3A_12 = arith.constant 0 : index
    %get3A_13 = arith.constant 0 : index
    %get3A_14 = vector.load %arg2[%get3A_12, %get3A_13] : memref<1250x128xf32, #tpu.memory_space<vmem>>, vector<1250x128xf32>
    %get3A_15 = arith.constant 0 : index
    %get3A_16 = arith.constant 0 : index
    %get3A_17 = vector.load %arg4[%get3A_15, %get3A_16] : memref<128x320xf32, #tpu.memory_space<vmem>>, vector<128x320xf32>
    %dot_general3A = arith.constant dense<0.000000e+00> : vector<1250x320xf32>
    %dot_general3A_18 = tpu.matmul %get3A_14, %get3A_17, %dot_general3A {dimension_numbers = #tpu.dot_dimension_numbers<[1], [0], [0], [1], [0, 0, 1, 1], [], []>, transpose_lhs_hint = false} : vector<1250x128xf32>, vector<128x320xf32>, vector<1250x320xf32> -> vector<1250x320xf32>
    %slice3A = vector.extract_strided_slice %mul3A {offsets = [0, 0], sizes = [1250, 128], strides = [1, 1]} : vector<10048x128xf32> to vector<1250x128xf32>
    %get3A_19 = arith.constant 0 : index
    %get3A_20 = arith.constant 0 : index
    %get3A_21 = arith.constant 0 : index
    %get3A_22 = vector.load %arg3[%get3A_19, %get3A_20, %get3A_21] : memref<8x128x320xf32, #tpu.memory_space<vmem>>, vector<1x128x320xf32>
    %get3A_23 = vector.shape_cast %get3A_22 : vector<1x128x320xf32> to vector<128x320xf32>
    %dot_general3A_24 = arith.constant dense<0.000000e+00> : vector<1250x320xf32>
    %dot_general3A_25 = tpu.matmul %slice3A, %get3A_23, %dot_general3A_24 {dimension_numbers = #tpu.dot_dimension_numbers<[1], [0], [0], [1], [0, 0, 1, 1], [], []>, transpose_lhs_hint = false} : vector<1250x128xf32>, vector<128x320xf32>, vector<1250x320xf32> -> vector<1250x320xf32>
    %add3A_26 = arith.addf %dot_general3A_18, %dot_general3A_25 : vector<1250x320xf32>
    %slice3A_27 = vector.extract_strided_slice %mul3A {offsets = [1256, 0], sizes = [1250, 128], strides = [1, 1]} : vector<10048x128xf32> to vector<1250x128xf32>
    %get3A_28 = arith.constant 1 : index
    %get3A_29 = arith.constant 0 : index
    %get3A_30 = arith.constant 0 : index
    %get3A_31 = vector.load %arg3[%get3A_28, %get3A_29, %get3A_30] : memref<8x128x320xf32, #tpu.memory_space<vmem>>, vector<1x128x320xf32>
    %get3A_32 = vector.shape_cast %get3A_31 : vector<1x128x320xf32> to vector<128x320xf32>
    %dot_general3A_33 = arith.constant dense<0.000000e+00> : vector<1250x320xf32>
    %dot_general3A_34 = tpu.matmul %slice3A_27, %get3A_32, %dot_general3A_33 {dimension_numbers = #tpu.dot_dimension_numbers<[1], [0], [0], [1], [0, 0, 1, 1], [], []>, transpose_lhs_hint = false} : vector<1250x128xf32>, vector<128x320xf32>, vector<1250x320xf32> -> vector<1250x320xf32>
    %add3A_35 = arith.addf %add3A_26, %dot_general3A_34 : vector<1250x320xf32>
    %slice3A_36 = vector.extract_strided_slice %mul3A {offsets = [2512, 0], sizes = [1250, 128], strides = [1, 1]} : vector<10048x128xf32> to vector<1250x128xf32>
    %get3A_37 = arith.constant 2 : index
    %get3A_38 = arith.constant 0 : index
    %get3A_39 = arith.constant 0 : index
    %get3A_40 = vector.load %arg3[%get3A_37, %get3A_38, %get3A_39] : memref<8x128x320xf32, #tpu.memory_space<vmem>>, vector<1x128x320xf32>
    %get3A_41 = vector.shape_cast %get3A_40 : vector<1x128x320xf32> to vector<128x320xf32>
    %dot_general3A_42 = arith.constant dense<0.000000e+00> : vector<1250x320xf32>
    %dot_general3A_43 = tpu.matmul %slice3A_36, %get3A_41, %dot_general3A_42 {dimension_numbers = #tpu.dot_dimension_numbers<[1], [0], [0], [1], [0, 0, 1, 1], [], []>, transpose_lhs_hint = false} : vector<1250x128xf32>, vector<128x320xf32>, vector<1250x320xf32> -> vector<1250x320xf32>
    %add3A_44 = arith.addf %add3A_35, %dot_general3A_43 : vector<1250x320xf32>
    %slice3A_45 = vector.extract_strided_slice %mul3A {offsets = [3768, 0], sizes = [1250, 128], strides = [1, 1]} : vector<10048x128xf32> to vector<1250x128xf32>
    %get3A_46 = arith.constant 3 : index
    %get3A_47 = arith.constant 0 : index
    %get3A_48 = arith.constant 0 : index
    %get3A_49 = vector.load %arg3[%get3A_46, %get3A_47, %get3A_48] : memref<8x128x320xf32, #tpu.memory_space<vmem>>, vector<1x128x320xf32>
    %get3A_50 = vector.shape_cast %get3A_49 : vector<1x128x320xf32> to vector<128x320xf32>
    %dot_general3A_51 = arith.constant dense<0.000000e+00> : vector<1250x320xf32>
    %dot_general3A_52 = tpu.matmul %slice3A_45, %get3A_50, %dot_general3A_51 {dimension_numbers = #tpu.dot_dimension_numbers<[1], [0], [0], [1], [0, 0, 1, 1], [], []>, transpose_lhs_hint = false} : vector<1250x128xf32>, vector<128x320xf32>, vector<1250x320xf32> -> vector<1250x320xf32>
    %add3A_53 = arith.addf %add3A_44, %dot_general3A_52 : vector<1250x320xf32>
    %slice3A_54 = vector.extract_strided_slice %mul3A {offsets = [5024, 0], sizes = [1250, 128], strides = [1, 1]} : vector<10048x128xf32> to vector<1250x128xf32>
    %get3A_55 = arith.constant 4 : index
    %get3A_56 = arith.constant 0 : index
    %get3A_57 = arith.constant 0 : index
    %get3A_58 = vector.load %arg3[%get3A_55, %get3A_56, %get3A_57] : memref<8x128x320xf32, #tpu.memory_space<vmem>>, vector<1x128x320xf32>
    %get3A_59 = vector.shape_cast %get3A_58 : vector<1x128x320xf32> to vector<128x320xf32>
    %dot_general3A_60 = arith.constant dense<0.000000e+00> : vector<1250x320xf32>
    %dot_general3A_61 = tpu.matmul %slice3A_54, %get3A_59, %dot_general3A_60 {dimension_numbers = #tpu.dot_dimension_numbers<[1], [0], [0], [1], [0, 0, 1, 1], [], []>, transpose_lhs_hint = false} : vector<1250x128xf32>, vector<128x320xf32>, vector<1250x320xf32> -> vector<1250x320xf32>
    %add3A_62 = arith.addf %add3A_53, %dot_general3A_61 : vector<1250x320xf32>
    %slice3A_63 = vector.extract_strided_slice %mul3A {offsets = [6280, 0], sizes = [1250, 128], strides = [1, 1]} : vector<10048x128xf32> to vector<1250x128xf32>
    %get3A_64 = arith.constant 5 : index
    %get3A_65 = arith.constant 0 : index
    %get3A_66 = arith.constant 0 : index
    %get3A_67 = vector.load %arg3[%get3A_64, %get3A_65, %get3A_66] : memref<8x128x320xf32, #tpu.memory_space<vmem>>, vector<1x128x320xf32>
    %get3A_68 = vector.shape_cast %get3A_67 : vector<1x128x320xf32> to vector<128x320xf32>
    %dot_general3A_69 = arith.constant dense<0.000000e+00> : vector<1250x320xf32>
    %dot_general3A_70 = tpu.matmul %slice3A_63, %get3A_68, %dot_general3A_69 {dimension_numbers = #tpu.dot_dimension_numbers<[1], [0], [0], [1], [0, 0, 1, 1], [], []>, transpose_lhs_hint = false} : vector<1250x128xf32>, vector<128x320xf32>, vector<1250x320xf32> -> vector<1250x320xf32>
    %add3A_71 = arith.addf %add3A_62, %dot_general3A_70 : vector<1250x320xf32>
    %slice3A_72 = vector.extract_strided_slice %mul3A {offsets = [7536, 0], sizes = [1250, 128], strides = [1, 1]} : vector<10048x128xf32> to vector<1250x128xf32>
    %get3A_73 = arith.constant 6 : index
    %get3A_74 = arith.constant 0 : index
    %get3A_75 = arith.constant 0 : index
    %get3A_76 = vector.load %arg3[%get3A_73, %get3A_74, %get3A_75] : memref<8x128x320xf32, #tpu.memory_space<vmem>>, vector<1x128x320xf32>
    %get3A_77 = vector.shape_cast %get3A_76 : vector<1x128x320xf32> to vector<128x320xf32>
    %dot_general3A_78 = arith.constant dense<0.000000e+00> : vector<1250x320xf32>
    %dot_general3A_79 = tpu.matmul %slice3A_72, %get3A_77, %dot_general3A_78 {dimension_numbers = #tpu.dot_dimension_numbers<[1], [0], [0], [1], [0, 0, 1, 1], [], []>, transpose_lhs_hint = false} : vector<1250x128xf32>, vector<128x320xf32>, vector<1250x320xf32> -> vector<1250x320xf32>
    %add3A_80 = arith.addf %add3A_71, %dot_general3A_79 : vector<1250x320xf32>
    %slice3A_81 = vector.extract_strided_slice %mul3A {offsets = [8792, 0], sizes = [1250, 128], strides = [1, 1]} : vector<10048x128xf32> to vector<1250x128xf32>
    %get3A_82 = arith.constant 7 : index
    %get3A_83 = arith.constant 0 : index
    %get3A_84 = arith.constant 0 : index
    %get3A_85 = vector.load %arg3[%get3A_82, %get3A_83, %get3A_84] : memref<8x128x320xf32, #tpu.memory_space<vmem>>, vector<1x128x320xf32>
    %get3A_86 = vector.shape_cast %get3A_85 : vector<1x128x320xf32> to vector<128x320xf32>
    %dot_general3A_87 = arith.constant dense<0.000000e+00> : vector<1250x320xf32>
    %dot_general3A_88 = tpu.matmul %slice3A_81, %get3A_86, %dot_general3A_87 {dimension_numbers = #tpu.dot_dimension_numbers<[1], [0], [0], [1], [0, 0, 1, 1], [], []>, transpose_lhs_hint = false} : vector<1250x128xf32>, vector<128x320xf32>, vector<1250x320xf32> -> vector<1250x320xf32>
    %add3A_89 = arith.addf %add3A_80, %dot_general3A_88 : vector<1250x320xf32>
    %reduce_sum3A = arith.constant dense<0.000000e+00> : vector<320xf32>
    %reduce_sum3A_90 = vector.multi_reduction <add>, %add3A_89, %reduce_sum3A [0] : vector<1250x320xf32> to vector<320xf32>
    %broadcast_in_dim3A = vector.shape_cast %reduce_sum3A_90 : vector<320xf32> to vector<1x320xf32>
    %mul3A_91 = arith.mulf %add3A_89, %add3A_89 : vector<1250x320xf32>
    %reduce_sum3A_92 = arith.constant dense<0.000000e+00> : vector<320xf32>
    %reduce_sum3A_93 = vector.multi_reduction <add>, %mul3A_91, %reduce_sum3A_92 [0] : vector<1250x320xf32> to vector<320xf32>
    %broadcast_in_dim3A_94 = vector.shape_cast %reduce_sum3A_93 : vector<320xf32> to vector<1x320xf32>
    %get3A_95 = arith.constant 0 : index
    %get3A_96 = arith.constant 0 : index
    %get3A_97 = vector.load %arg7[%get3A_95, %get3A_96] : memref<320x40xf32, #tpu.memory_space<vmem>>, vector<320x40xf32>
    %dot_general3A_98 = arith.constant dense<0.000000e+00> : vector<1x40xf32>
    %dot_general3A_99 = tpu.matmul %broadcast_in_dim3A, %get3A_97, %dot_general3A_98 {dimension_numbers = #tpu.dot_dimension_numbers<[1], [0], [0], [1], [0, 0, 1, 1], [], []>, transpose_lhs_hint = false} : vector<1x320xf32>, vector<320x40xf32>, vector<1x40xf32> -> vector<1x40xf32>
    %mul3A_100 = arith.constant 9.99999974E-5 : f32
    %mul3A_101 = vector.broadcast %mul3A_100 : f32 to vector<1x40xf32>
    %mul3A_102 = arith.mulf %dot_general3A_99, %mul3A_101 : vector<1x40xf32>
    %get3A_103 = arith.constant 0 : index
    %get3A_104 = arith.constant 0 : index
    %get3A_105 = vector.load %arg7[%get3A_103, %get3A_104] : memref<320x40xf32, #tpu.memory_space<vmem>>, vector<320x40xf32>
    %dot_general3A_106 = arith.constant dense<0.000000e+00> : vector<1x40xf32>
    %dot_general3A_107 = tpu.matmul %broadcast_in_dim3A_94, %get3A_105, %dot_general3A_106 {dimension_numbers = #tpu.dot_dimension_numbers<[1], [0], [0], [1], [0, 0, 1, 1], [], []>, transpose_lhs_hint = false} : vector<1x320xf32>, vector<320x40xf32>, vector<1x40xf32> -> vector<1x40xf32>
    %mul3A_108 = arith.constant 9.99999974E-5 : f32
    %mul3A_109 = vector.broadcast %mul3A_108 : f32 to vector<1x40xf32>
    %mul3A_110 = arith.mulf %dot_general3A_107, %mul3A_109 : vector<1x40xf32>
    %mul3A_111 = arith.mulf %mul3A_102, %mul3A_102 : vector<1x40xf32>
    %sub3A = arith.subf %mul3A_110, %mul3A_111 : vector<1x40xf32>
    %get3A_112 = arith.constant 0 : index
    %get3A_113 = vector.load %arg5[%get3A_112] : memref<40xf32, #tpu.memory_space<vmem>>, vector<40xf32>
    %add3A_114 = arith.constant 9.99999974E-6 : f32
    %add3A_115 = vector.broadcast %add3A_114 : f32 to vector<1x40xf32>
    %add3A_116 = arith.addf %sub3A, %add3A_115 : vector<1x40xf32>
    %rsqrt3A = math.rsqrt %add3A_116 : vector<1x40xf32>
    %broadcast_in_dim3A_117 = vector.shape_cast %get3A_113 : vector<40xf32> to vector<1x40xf32>
    %mul3A_118 = arith.mulf %broadcast_in_dim3A_117, %rsqrt3A : vector<1x40xf32>
    %get3A_119 = arith.constant 0 : index
    %get3A_120 = vector.load %arg6[%get3A_119] : memref<40xf32, #tpu.memory_space<vmem>>, vector<40xf32>
    %mul3A_121 = arith.mulf %mul3A_102, %mul3A_118 : vector<1x40xf32>
    %broadcast_in_dim3A_122 = vector.shape_cast %get3A_120 : vector<40xf32> to vector<1x40xf32>
    %sub3A_123 = arith.subf %broadcast_in_dim3A_122, %mul3A_121 : vector<1x40xf32>
    %get3A_124 = arith.constant 0 : index
    %get3A_125 = arith.constant 0 : index
    %get3A_126 = vector.load %arg8[%get3A_124, %get3A_125] : memref<40x320xf32, #tpu.memory_space<vmem>>, vector<40x320xf32>
    %dot_general3A_127 = arith.constant dense<0.000000e+00> : vector<1x320xf32>
    %dot_general3A_128 = tpu.matmul %mul3A_118, %get3A_126, %dot_general3A_127 {dimension_numbers = #tpu.dot_dimension_numbers<[1], [0], [0], [1], [0, 0, 1, 1], [], []>, transpose_lhs_hint = false} : vector<1x40xf32>, vector<40x320xf32>, vector<1x320xf32> -> vector<1x320xf32>
    %mul3A_129 = vector.broadcast %dot_general3A_128 : vector<1x320xf32> to vector<1250x320xf32>
    %mul3A_130 = arith.mulf %add3A_89, %mul3A_129 : vector<1250x320xf32>
    %get3A_131 = arith.constant 0 : index
    %get3A_132 = arith.constant 0 : index
    %get3A_133 = vector.load %arg8[%get3A_131, %get3A_132] : memref<40x320xf32, #tpu.memory_space<vmem>>, vector<40x320xf32>
    %dot_general3A_134 = arith.constant dense<0.000000e+00> : vector<1x320xf32>
    %dot_general3A_135 = tpu.matmul %sub3A_123, %get3A_133, %dot_general3A_134 {dimension_numbers = #tpu.dot_dimension_numbers<[1], [0], [0], [1], [0, 0, 1, 1], [], []>, transpose_lhs_hint = false} : vector<1x40xf32>, vector<40x320xf32>, vector<1x320xf32> -> vector<1x320xf32>
    %add3A_136 = vector.broadcast %dot_general3A_135 : vector<1x320xf32> to vector<1250x320xf32>
    %add3A_137 = arith.addf %mul3A_130, %add3A_136 : vector<1250x320xf32>
    %max3A = arith.constant 0.000000e+00 : f32
    %max3A_138 = vector.broadcast %max3A : f32 to vector<1250x320xf32>
    %max3A_139 = arith.maximumf %add3A_137, %max3A_138 : vector<1250x320xf32>
    %exp3A = math.exp %max3A_139 : vector<1250x320xf32>
    %get3A_140 = arith.constant 0 : index
    %get3A_141 = arith.constant 0 : index
    %get3A_142 = vector.load %arg9[%get3A_140, %get3A_141] : memref<320x8xf32, #tpu.memory_space<vmem>>, vector<320x8xf32>
    %dot_general3A_143 = arith.constant dense<0.000000e+00> : vector<1250x8xf32>
    %dot_general3A_144 = tpu.matmul %exp3A, %get3A_142, %dot_general3A_143 {dimension_numbers = #tpu.dot_dimension_numbers<[1], [0], [0], [1], [0, 0, 1, 1], [], []>, transpose_lhs_hint = false} : vector<1250x320xf32>, vector<320x8xf32>, vector<1250x8xf32> -> vector<1250x8xf32>
    %log3A = math.log %dot_general3A_144 : vector<1250x8xf32>
    %get3A_145 = arith.constant 0 : index
    %get3A_146 = arith.constant 0 : index
    %get3A_147 = vector.load %arg10[%get3A_145, %get3A_146] : memref<8x320xf32, #tpu.memory_space<vmem>>, vector<8x320xf32>
    %dot_general3A_148 = arith.constant dense<0.000000e+00> : vector<1250x320xf32>
    %dot_general3A_149 = tpu.matmul %log3A, %get3A_147, %dot_general3A_148 {dimension_numbers = #tpu.dot_dimension_numbers<[1], [0], [0], [1], [0, 0, 1, 1], [], []>, transpose_lhs_hint = false} : vector<1250x8xf32>, vector<8x320xf32>, vector<1250x320xf32> -> vector<1250x320xf32>
    %sub3A_150 = arith.subf %max3A_139, %dot_general3A_149 : vector<1250x320xf32>
    %swap3A = arith.constant 0 : index
    %swap3A_151 = arith.constant 0 : index
    %swap3A_152 = vector.load %arg11[%swap3A, %swap3A_151] : memref<1250x320xf32, #tpu.memory_space<vmem>>, vector<1250x320xf32>
    tpu.vector_store %arg11[%swap3A, %swap3A_151], %sub3A_150 {strides = array<i32>} : memref<1250x320xf32, #tpu.memory_space<vmem>>, vector<1250x320xf32>,
    return
  }
}

</mosaic_0001>

<sc_bundles>
// kernel: kernel.11.cloned.1.call-start
scs
__scs_entry_jumppad:
0x0: {  	(pc) =	sbr.rel $0x88, $3  }
0x1: {  	(tag) =	ssettag $0x0;
	lr =	simm.s32 $0x1  }
0x2: {  	[smem:$0x3F96] =	sst lr;
	_ =	strace $0xD0000000  }
0x3: {  	_ = 	snop  }
0x4: {  	_ = 	snop  }
0x5: {  	_ = 	snop  }
0x6: {  	_ = 	snop  }
0x7: {  	_ = 	snop  }
__scs_overlays_trampoline_lowered:
0x8: {  	[smem:$0x3FA5] =	sst s0  }
0x9: {  	[smem:$0x3FA6] =	sst s1  }
0xa: {  	[smem:$0x3FA7] =	sst s2  }
0xb: {  	[smem:$0x3FA8] =	sst s3  }
0xc: {  	[smem:$0x3FA9] =	sst s4  }
0xd: {  	[smem:$0x3FAA] =	sst s5  }
0xe: {  	[smem:$0x3FAB] =	sst s6  }
0xf: {  	[smem:$0x3FAC] =	sst s7  }
0x10: {  	[smem:$0x3FAD] =	sst s8  }
0x11: {  	[smem:$0x3FAE] =	sst s9;
	s0 =	simm.s32 @!p0 $0x0  }
0x12: {  	s1 =	sld [smem:$0x3F94];
	s0 =	simm.s32 @p0 $0x1  }
0x13: {  	[smem:$0x3FAF] =	sst s0;
	s0 =	simm.s32 @!p1 $0x0  }
0x14: {  	s2 =	sld [smem:$0x3F93];
	s0 =	simm.s32 @p1 $0x1  }
0x15: {  	[smem:$0x3FB0] =	sst s0;
	s0 =	simm.s32 @!p2 $0x0  }
0x16: {  	s3 =	sld [smem:$0x3FDB];
	s0 =	simm.s32 @p2 $0x1  }
0x17: {  	s4 =	simm.s32 $0x1BF5;
	[smem:$0x3FB2] =	sst s0  }
0x18: {  	s0 =	sld [smem:$0x3F95];
	_ =	swait.ge [sflag:s4], $0x0  }
0x19: {  	s7 =	sld [smem:$0x3F96]  }
0x1a: {  	s8 =	sadd.s32 $0xFFFFE003, lr  }
0x1b: {  	s9 =	sadd.s32 $0xFFFFFEF7, lr;
	s5 =	simm.s32 $0xFFFFFFFF;
	p2 =	slt.u32 s8, $0xFFFFF086  }
0x1c: {  	p1 =	slt.u32 s9, $0xF7A;
	s5 =	simm.s32 @!p2 $0x0  }
0x1d: {  	s5 =	simm.s32 @p1 $0x1;
	p0 =	seq.s32 s7, s2  }
0x1e: {  	s7 =	smul.u32 @!p0 $0xF7A, s2;
	p2 =	seq.s32 @!p0 s5, $0x0  }
0x1f: {  	s9 =	smul.u32 $0xF7A, s1;
	s8 =	simm.s32 @!p0 $0x1BF5;
	p2 =	por !p2, p0  }
0x20: {  	[sflag:s8] =	ssyncset.s32 @!p0 $0xFFFFF086;
	s6 =	sadd.s32 @!p0 s3, s7;
	s7 =	simm.s32 @!p0 $0x108  }
0x21: {  	s3 =	sadd.s32 s3, s9;
	s6 =	sadd.s32 @!p0 $0x88, s6;
	s7 =	simm.s32 @p2 $0x1082  }
0x22: {  	[simem:s7], [sflag:s8] =	dma.local @!p0 [hbm:s6], $0xF7A  }
0x23: {  	s9 =	sor.u32 $0xD0000000, s2;
	s6 =	simm.s32 $0x108;
	_ =	swait.ge @!p0 [sflag:s8], $0x0  }
0x24: {  	s3 =	sadd.s32 $0x88, s3;
	s6 =	simm.s32 @!p1 $0x1082;
	[sflag:s4] =	ssyncset.s32 $0xFFFFF086  }
0x25: {  	[simem:s6], [sflag:s4] =	dma.local [hbm:s3], $0xF7A  }
0x26: {  	[smem:$0x3F96] =	sst s1;
	(tag) =	ssettag s2;
	_ =	strace s9  }
0x27: {  	s1 =	sld [smem:$0x3FA6]  }
0x28: {  	s2 =	sld [smem:$0x3FA7]  }
0x29: {  	s4 =	sld [smem:$0x3FA9]  }
0x2a: {  	p0 =	seq.s32 s5, $0x0;
	s5 =	sld [smem:$0x3FAA]  }
0x2b: {  	s6 =	sld [smem:$0x3FAB]  }
0x2c: {  	s7 =	sld [smem:$0x3FAC]  }
0x2d: {  	s3 =	simm.s32 $0x108;
	s8 =	sld [smem:$0x3FAD]  }
0x2e: {  	s3 =	simm.s32 @!p0 $0x1082;
	s9 =	sld [smem:$0x3FAE]  }
0x2f: {  	lr =	sadd.s32 s0, s3;
	s0 =	sld [smem:$0x3FA5]  }
0x30: {  	s3 =	sld [smem:$0x3FA8]  }
0x31: {  	[smem:$0x3FB1] =	sst s10  }
0x32: {  	s10 =	sld [smem:$0x3FAF];
	_ =	sdelay $0x3  }
0x33: {  	p0 =	seq.s32 s10, $0x1;
	s10 =	sld [smem:$0x3FB1];
	_ =	sdelay $0x3  }
0x34: {  	[smem:$0x3FB1] =	sst s10  }
0x35: {  	s10 =	sld [smem:$0x3FB0];
	_ =	sdelay $0x3  }
0x36: {  	p1 =	seq.s32 s10, $0x1;
	s10 =	sld [smem:$0x3FB1];
	_ =	sdelay $0x3  }
0x37: {  	[smem:$0x3FB1] =	sst s10  }
0x38: {  	s10 =	sld [smem:$0x3FB2]  }
0x39: {  	_ = 	snop;
	(pc) =	sbr.ind lr, $3  }
0x3a: {  	_ = 	snop  }
0x3b: {  	_ = 	snop  }
0x3c: {  	p2 =	seq.s32 s10, $0x1;
	s10 =	sld [smem:$0x3FB1]  }
0x3d: {  	_ =	shalt  }
0x3e: {  	_ =	shalt  }
0x3f: {  	_ =	shalt  }
0x40: {  	_ =	shalt  }
0x41: {  	_ =	shalt  }
0x42: {  	_ =	shalt  }
0x43: {  	_ =	shalt  }
0x44: {  	_ =	shalt  }
0x45: {  	_ =	shalt  }
0x46: {  	_ =	shalt  }
0x47: {  	_ =	shalt  }
0x48: {  	_ =	shalt  }
0x49: {  	_ =	shalt  }
0x4a: {  	_ =	shalt  }
0x4b: {  	_ =	shalt  }
0x4c: {  	_ =	shalt  }
0x4d: {  	_ =	shalt  }
0x4e: {  	_ =	shalt  }
0x4f: {  	_ =	shalt  }
0x50: {  	_ =	shalt  }
0x51: {  	_ =	shalt  }
0x52: {  	_ =	shalt  }
0x53: {  	_ =	shalt  }
0x54: {  	_ =	shalt  }
0x55: {  	_ =	shalt  }
0x56: {  	_ =	shalt  }
0x57: {  	_ =	shalt  }
0x58: {  	_ =	shalt  }
0x59: {  	_ =	shalt  }
0x5a: {  	_ =	shalt  }
0x5b: {  	_ =	shalt  }
0x5c: {  	_ =	shalt  }
0x5d: {  	_ =	shalt  }
0x5e: {  	_ =	shalt  }
0x5f: {  	_ =	shalt  }
0x60: {  	_ =	shalt  }
0x61: {  	_ =	shalt  }
0x62: {  	_ =	shalt  }
0x63: {  	_ =	shalt  }
0x64: {  	_ =	shalt  }
0x65: {  	_ =	shalt  }
0x66: {  	_ =	shalt  }
0x67: {  	_ =	shalt  }
0x68: {  	_ =	shalt  }
0x69: {  	_ =	shalt  }
0x6a: {  	_ =	shalt  }
0x6b: {  	_ =	shalt  }
0x6c: {  	_ =	shalt  }
0x6d: {  	_ =	shalt  }
0x6e: {  	_ =	shalt  }
0x6f: {  	_ =	shalt  }
0x70: {  	_ =	shalt  }
0x71: {  	_ =	shalt  }
0x72: {  	_ =	shalt  }
0x73: {  	_ =	shalt  }
0x74: {  	_ =	shalt  }
0x75: {  	_ =	shalt  }
0x76: {  	_ =	shalt  }
0x77: {  	_ =	shalt  }
0x78: {  	_ =	shalt  }
0x79: {  	_ =	shalt  }
0x7a: {  	_ =	shalt  }
0x7b: {  	_ =	shalt  }
0x7c: {  	_ =	shalt  }
0x7d: {  	_ =	shalt  }
0x7e: {  	_ =	shalt  }
0x7f: {  	_ =	shalt  }
0x80: {  	_ =	shalt  }
0x81: {  	_ =	shalt  }
0x82: {  	_ =	shalt  }
0x83: {  	_ =	shalt  }
0x84: {  	_ =	shalt  }
0x85: {  	_ =	shalt  }
0x86: {  	_ =	shalt  }
0x87: {  	_ =	shalt  }
.Lfunc_end0:
.L_simem_size_0:
called_computation.1_lowered:
.L_overlay_start_0:
0x88: {  	s2 =	sld [smem:$0x3FD9]  }
0x89: {  	s3 =	sld [smem:$0x3FFE];
	_ =	sdelay $0x1  }
0x8a: {  	s1 =	srdreg.scid  }
0x8b: {  	s0 =	sand.u32 $0x1, s1  }
0x8c: {  	s16 =	sshll.u32 s0, $0xA;
	s2 =	sadd.s32 s3, s2  }
0x8d: {  	s2 =	sadd.s32 s2, s16  }
0x8e: {  	[smem:$0x3FBD] =	sst s2  }
0x8f: {  	_ = 	snop  }
0x90: {  	(tm) =	ssettm $0x1  }
0x91: {  	s17 =	sld [smem:$0x3FFB];
	_ =	sdelay $0x3  }
0x92: {  	_ =	strace s17  }
0x93: {  	s2 =	sld [smem:$0x3FFC];
	_ =	sdelay $0x3  }
0x94: {  	_ =	strace s2  }
0x95: {  	s2 =	sld [smem:$0x3FFD];
	_ =	sdelay $0x3  }
0x96: {  	_ =	strace s2  }
0x97: {  	_ =	strace $0x8FFFFFFF  }
0x98: {  	s18 =	sld [smem:$0x3FDB];
	_ =	sdelay $0x1  }
0x99: {  	s19 =	simm.s32 $_scs_section_size  }
0x9a: {  	s4 =	simm.s32 $_size__tile_overlayer_lowered;
	s5 =	simm.s32 $_tile_overlayer_lowered  }
0x9b: {  	s22 =	simm.s32 $0x1BFF;
	s21 =	sshll.u32 s5, $0x1;
	s2 =	sadd.s32 s19, s18  }
0x9c: {  	s6 =	simm.s32 $0x0;
	s20 =	sshll.u32 s4, $0x1;
	s4 =	sadd.s32 s21, s2  }
0x9d: {  	[timem:s6], [sflag:s22] =	dma.local [hbm:s4], s20  }
0x9e: {  	_ =	swait.ge [sflag:s22], s20  }
0x9f: {  	s3 =	ssub.s32 $0x0, s20;
	[sflag:s22] =	ssyncset.done $0x0  }
0xa0: {  	[sflag:s22] =	ssyncadd.s32 s3;
	_ =	sdelay $0x1  }
0xa1: {  	s23 =	simm.s32 $0x1B8B  }
0xa2: {  	_ =	swait.ge [sflag:s23], $0x1  }
0xa3: {  	[sflag:s23] =	ssyncset.done $0x0  }
0xa4: {  	s25 =	simm.s32 $0x1B8E;
	s24 =	sld [smem:$0x3FFE];
	[sflag:s23] =	ssyncadd.s32 $0xFFFFFFFF  }
0xa5: {  	s26 =	simm.s32 $execute0_lowered;
	[smem:$0x3FD2] =	sst s25  }
0xa6: {  	s4 =	sshll.u32 s26, $0x1;
	_ =	strace $0x80000049;
	[dreg:$0x1] =	wrdreg $0xFFFFFFFF  }
0xa7: {  	s28 =	simm.s32 $_size_execute0_lowered;
	s2 =	sadd.s32 s2, s4;
	[dreg:$0x0] =	wrdreg $0x0  }
0xa8: {  	s4 =	sshll.u32 s28, $0x1;
	[dreg:$0x2] =	wrdreg s2  }
0xa9: {  	[dreg:$0x3] =	wrdreg s4  }
0xaa: {  	[dreg:$0x4] =	wrdreg $0xC0  }
0xab: {  	_ =	task [dreg:s6], $0x5FFFF  }
0xac: {  	[dreg:$0x1] =	wrdreg $0xFFFFFFFF  }
0xad: {  	[dreg:$0x0] =	wrdreg $0x60  }
0xae: {  	[dreg:$0x2] =	wrdreg s24  }
0xaf: {  	[dreg:$0x3] =	wrdreg $0x80000  }
0xb0: {  	[dreg:$0x4] =	wrdreg $0x1BA000  }
0xb1: {  	[dreg:$0x5] =	wrdreg $0x9  }
0xb2: {  	_ =	task.clear_ibuf [dreg:s6], $0x6FFFF;
	_ =	strace $0x90000049  }
0xb3: {  	s29 =	simm.s32 $0x9;
	_ =	strace $0x8000004B  }
0xb4: {  	_ =	swait.ge [sflag:s29], $0x1  }
0xb5: {  	[sflag:s29] =	ssyncadd.s32 $0xFFFFFFFF  }
0xb6: {  	_ =	strace $0x9000004B  }
0xb7: {  	_ =	sfence  }
0xb8: {  	s30 =	sld [smem:$0x0];
	_ =	sdelay $0x2  }
0xb9: {  	s31 =	sshll.u32 s1, $0xD;
	s1 =	sshrl.u32 s1, $0x2  }
0xba: {  	s3 =	sand.u32 $0x4000, s31;
	s1 =	sadd.s32 s1, s30  }
0xbb: {  	s0 =	sor.u32 s3, s0;
	s1 =	sshll.u32 s1, $0x11  }
0xbc: {  	s0 =	sor.u32 s1, s0  }
0xbd: {  	s0 =	sadd.s32 $0x8F2B, s0  }
0xbe: {  	[sflag:s0] =	ssyncadd.remote.s32 $0x1  }
0xbf: {  	_ =	sfence.sel $0xFFFF  }
0xc0: {  	[dreg:$0x0] =	wrdreg $0xFFFFFFFF;
	(pc) =	sbr.abs _section_cstart, $3  }
0xc1: {  	[dreg:$0x1] =	wrdreg $0xFFFFFFFF  }
0xc2: {  	_ =	task.clear_ibuf [dreg:s6], $0x2FFFF;
	_ =	strace $0x9FFFFFFF  }
0xc3: {  	(tm) =	ssettm $0x7FFFFFFF  }
tec
execute0_lowered:
.L_overlay_start_1:
0x0: {  	(tag) =	ssettag $0x1  }
0x1: {  	s0 =	rddreg [dreg:$0x0]  }
0x2: {  	s2 =	rddreg [dreg:$0x1]  }
0x3: {  	s3 =	rddreg [dreg:$0x2]  }
0x4: {  	s15 =	stileid.u32;
	s5 =	srdreg.scid  }
0x5: {  	s4 =	simm.s32 $0x0;
	s18 =	simm.s32 $0x100;
	s19 =	simm.s32 $0x5000  }
0x6: {  	s20 =	simm.s32 $0x6000;
	s22 =	simm.s32 $0x7000;
	s23 =	simm.s32 $0x1  }
0x7: {  	s24 =	simm.s32 $0x2;
	s28 =	simm.s32 $0x5;
	s1 =	smul.u32 $0x2710, s15  }
0x8: {  	s29 =	simm.s32 $0x6;
	s6 =	sand.u32 $0x1, s5;
	s7 =	smul.u32 $0x13A00, s15  }
0x9: {  	[smem:$0x7FF] =	sst s4;
	s11 =	sadd.s32 $0x9E00, s0;
	s26 =	sshll.u32 s15, $0x6  }
0xa: {  	s31 =	sshll.u32 s15, $0x5;
	s5 =	smul.u32 $0x13A000, s6;
	_ =	strace $0x8000004A  }
0xb: {  	s10 =	ssub.s32 $0x2, s6;
	s6 =	sshll.u32 s6, $0x4;
	s8 =	sshrl.u32 s1, $0x3  }
0xc: {  	s25 =	sshrl.u32 s10, $0x1;
	s17 =	sor.u32 s15, s6;
	s14 =	sadd.s32 s7, s2  }
0xd: {  	s6 =	sor.u32 $0x1C07, s26;
	s1 =	sadd.s32 s1, s3;
	s15 =	sor.u32 $0x9C00, s31  }
0xe: {  	s26 =	simm.s32 $0x4;
	s8 =	sadd.s32 s8, s0;
	s9 =	sadd.s32 s7, s5  }
0xf: {  	s5 =	sadd.s32 $0x3AE00, s0;
	s13 =	ssub.s32 s10, s25;
	s30 =	smul.u32 $0x4E0, s17  }
0x10: {  	s10 =	sadd.s32 s0, s15;
	s14 =	sshrl.u32 s14, $0x3;
	s16 =	sshrl.u32 s1, $0x3  }
0x11: {  	p0 =	sgt.u32 s17, $0x1;
	s25 =	simm.s32 $0x3;
	s1 =	simm.s32 $0x0  }
0x12: {  	s9 =	sshrl.u32 s9, $0x3;
	s7 =	sadd.s32 $0xBD000, s8;
	s13 =	smax.u32 s13, $0x1  }
0x13: {  	s12 =	sadd.s32 s9, s0;
	s8 =	sadd.s32 s0, s30;
	s9 =	sadd.s32 s11, s30  }
0x14: {  	s11 =	sadd.s32 s11, s15;
	s15 =	simm.s32 $0x7;
	s12 =	sadd.s32 $0x3D600, s12  }
.LBB2_1:
0x15: {  	[spmem:s14], [sflag:s6] =	dma.local [hbm:s5], $0x2740  }
0x16: {  	_ =	swait.ge [sflag:s15], $0x2740  }
0x17: {  	[sflag:s15] =	ssyncset.done $0x0  }
0x18: {  	[sflag:s15] =	ssyncadd.s32 $0xFFFFD8C0  }
0x19: {  	[spmem:s16], [sflag:s6] =	dma.local [hbm:s7], $0x4E2  }
0x1a: {  	_ =	swait.ge [sflag:s15], $0x4E2  }
0x1b: {  	[sflag:s15] =	ssyncset.done $0x0  }
0x1c: {  	[sflag:s15] =	ssyncadd.s32 $0xFFFFFB1E  }
0x1d: {  	[bflag:$0x0] =	sbarrier.arrive $0xFFFF  }
0x1e: {  	[tilespmem:s4], [sflag:$0x7] =	stream.linear.gather [hbm4b:s8+s4], $0x2700, $0x38;
	[tilespmem:$0x1E110] =	vst v63  }
0x1f: {  	_ =	swait.ge [sflag:s15], $0x2700  }
0x20: {  	[sflag:s15] =	ssyncset.done $0x0  }
0x21: {  	s0 =	simm.s32 $0x2700;
	[sflag:s15] =	ssyncadd.s32 $0xFFFFD900  }
0x22: {  	[tilespmem:s0], [sflag:$0x7] =	stream.linear.gather [hbm4b:s9+s4], $0x2700, $0x38;
	[tilespmem:$0x1E110] =	vst v63  }
0x23: {  	_ =	swait.ge [sflag:s15], $0x2700  }
0x24: {  	[sflag:s15] =	ssyncset.done $0x0  }
0x25: {  	[sflag:s15] =	ssyncadd.s32 $0xFFFFD900  }
0x26: {  	[tilespmem:s19], [sflag:$0x1] =	stream.indirect.gather [spmem:s3], $0x10, s4, s18, $0xb8;
	[tilespmem:$0x1E110] =	vst v63  }
0x27: {  	_ = 	snop  }
0x28: {  	[tilespmem:s20], [sflag:$0x2] =	stream.indirect.gather [spmem:s3], $0x10, s18, s18, $0xb8;
	[tilespmem:$0x1E110] =	vst v63  }
0x29: {  	s31 =	simm.s32 $0x200  }
0x2a: {  	[tilespmem:s22], [sflag:$0x3] =	stream.indirect.gather [spmem:s3], $0x10, s31, s18, $0xb8;
	[tilespmem:$0x1E110] =	vst v63  }
0x2b: {  	_ =	swait.ge [sflag:s23], $0x1000  }
0x2c: {  	[sflag:s23] =	ssyncset.done $0x0  }
0x2d: {  	s17 =	simm.s32 $0x2700;
	[sflag:s23] =	ssyncadd.s32 $0xFFFFF000  }
0x2e: {  	[spmem:s2] =	stream.indirect.scatter.add.f32 [tilespmem:s19], [sflag:$0x4], $0x10, s17, s18, $0xb8;
	[tilespmem:$0x1E110] =	vst v63  }
0x2f: {  	_ =	swait.ge [sflag:s24], $0x1000  }
0x30: {  	[sflag:s24] =	ssyncset.done $0x0  }
0x31: {  	s0 =	simm.s32 $0x2800;
	[sflag:s24] =	ssyncadd.s32 $0xFFFFF000  }
0x32: {  	[spmem:s2] =	stream.indirect.scatter.add.f32 [tilespmem:s20], [sflag:$0x5], $0x10, s0, s18, $0xb8;
	[tilespmem:$0x1E110] =	vst v63  }
0x33: {  	_ =	swait.ge [sflag:s25], $0x1000  }
0x34: {  	[sflag:s25] =	ssyncset.done $0x0  }
0x35: {  	s21 =	simm.s32 $0x2900;
	[sflag:s25] =	ssyncadd.s32 $0xFFFFF000  }
0x36: {  	[spmem:s2] =	stream.indirect.scatter.add.f32 [tilespmem:s22], [sflag:$0x6], $0x10, s21, s18, $0xb8;
	[tilespmem:$0x1E110] =	vst v63  }
0x37: {  	_ =	swait.ge [sflag:s26], $0x1000  }
0x38: {  	[sflag:s26] =	ssyncset.done $0x0  }
0x39: {  	s30 =	simm.s32 $0x300;
	[sflag:s26] =	ssyncadd.s32 $0xFFFFF000  }
0x3a: {  	[tilespmem:s19], [sflag:$0x1] =	stream.indirect.gather [spmem:s3], $0x10, s30, s18, $0xb8;
	[tilespmem:$0x1E110] =	vst v63  }
0x3b: {  	_ =	swait.ge [sflag:s28], $0x1000  }
0x3c: {  	[sflag:s28] =	ssyncset.done $0x0  }
0x3d: {  	s31 =	simm.s32 $0x400;
	[sflag:s28] =	ssyncadd.s32 $0xFFFFF000  }
0x3e: {  	[tilespmem:s20], [sflag:$0x2] =	stream.indirect.gather [spmem:s3], $0x10, s31, s18, $0xb8;
	[tilespmem:$0x1E110] =	vst v63  }
0x3f: {  	_ =	swait.ge [sflag:s29], $0x1000  }
0x40: {  	[sflag:s29] =	ssyncset.done $0x0  }
0x41: {  	s17 =	simm.s32 $0xC00;
	s21 =	simm.s32 $0x500;
	[sflag:s29] =	ssyncadd.s32 $0xFFFFF000  }
.LBB2_2:
0x42: {  	[tilespmem:s22], [sflag:$0x3] =	stream.indirect.gather [spmem:s3], $0x10, s21, s18, $0xb8;
	[tilespmem:$0x1E110] =	vst v63  }
0x43: {  	s21 =	smov.u32 s17  }
0x44: {  	p1 =	sne.s32 s17, $0x8400;
	s17 =	sadd.s32 $0xC00, s17;
	_ =	swait.ge [sflag:s23], $0x1000  }
0x45: {  	s21 =	sshra.s32 s21, $0x2;
	[sflag:s23] =	ssyncset.done $0x0  }
0x46: {  	s30 =	sadd.s32 $0x2700, s21;
	[sflag:s23] =	ssyncadd.s32 $0xFFFFF000  }
0x47: {  	[spmem:s2] =	stream.indirect.scatter.add.f32 [tilespmem:s19], [sflag:$0x4], $0x10, s30, s18, $0xb8;
	[tilespmem:$0x1E110] =	vst v63  }
0x48: {  	_ =	swait.ge [sflag:s24], $0x1000  }
0x49: {  	[sflag:s24] =	ssyncset.done $0x0  }
0x4a: {  	s30 =	sadd.s32 $0x2800, s21;
	[sflag:s24] =	ssyncadd.s32 $0xFFFFF000  }
0x4b: {  	[spmem:s2] =	stream.indirect.scatter.add.f32 [tilespmem:s20], [sflag:$0x5], $0x10, s30, s18, $0xb8;
	[tilespmem:$0x1E110] =	vst v63  }
0x4c: {  	_ =	swait.ge [sflag:s25], $0x1000  }
0x4d: {  	[sflag:s25] =	ssyncset.done $0x0  }
0x4e: {  	s30 =	sadd.s32 $0x2900, s21;
	[sflag:s25] =	ssyncadd.s32 $0xFFFFF000  }
0x4f: {  	[spmem:s2] =	stream.indirect.scatter.add.f32 [tilespmem:s22], [sflag:$0x6], $0x10, s30, s18, $0xb8;
	[tilespmem:$0x1E110] =	vst v63  }
0x50: {  	_ =	swait.ge [sflag:s26], $0x1000  }
0x51: {  	[sflag:s26] =	ssyncset.done $0x0  }
0x52: {  	s30 =	sadd.s32 $0x300, s21;
	[sflag:s26] =	ssyncadd.s32 $0xFFFFF000  }
0x53: {  	[tilespmem:s19], [sflag:$0x1] =	stream.indirect.gather [spmem:s3], $0x10, s30, s18, $0xb8;
	[tilespmem:$0x1E110] =	vst v63  }
0x54: {  	_ =	swait.ge [sflag:s28], $0x1000  }
0x55: {  	[sflag:s28] =	ssyncset.done $0x0  }
.Ltmp0:
0x56: {  	s30 =	sadd.s32 $0x400, s21;
	[sflag:s28] =	ssyncadd.s32 $0xFFFFF000;
	(pc) =	sbr.rel @p1 .LBB2_2-.Ltmp0, $4  }
0x57: {  	[tilespmem:s20], [sflag:$0x2] =	stream.indirect.gather [spmem:s3], $0x10, s30, s18, $0xb8;
	[tilespmem:$0x1E110] =	vst v63  }
0x58: {  	_ =	swait.ge [sflag:s29], $0x1000  }
0x59: {  	[sflag:s29] =	ssyncset.done $0x0  }
0x5a: {  	s21 =	sadd.s32 $0x500, s21;
	[sflag:s29] =	ssyncadd.s32 $0xFFFFF000  }
0x5b: {  	[tilespmem:s22], [sflag:$0x3] =	stream.indirect.gather [spmem:s3], $0x10, s21, s18, $0xb8;
	[tilespmem:$0x1E110] =	vst v63  }
0x5c: {  	_ =	swait.ge [sflag:s23], $0x1000  }
0x5d: {  	[sflag:s23] =	ssyncset.done $0x0  }
0x5e: {  	s0 =	simm.s32 $0x4B00;
	[sflag:s23] =	ssyncadd.s32 $0xFFFFF000  }
0x5f: {  	[spmem:s2] =	stream.indirect.scatter.add.f32 [tilespmem:s19], [sflag:$0x4], $0x10, s0, s18, $0xb8;
	[tilespmem:$0x1E110] =	vst v63  }
0x60: {  	_ =	swait.ge [sflag:s24], $0x1000  }
0x61: {  	[sflag:s24] =	ssyncset.done $0x0  }
0x62: {  	s30 =	simm.s32 $0x4C00;
	[sflag:s24] =	ssyncadd.s32 $0xFFFFF000  }
0x63: {  	[spmem:s2] =	stream.indirect.scatter.add.f32 [tilespmem:s20], [sflag:$0x5], $0x10, s30, s18, $0xb8;
	[tilespmem:$0x1E110] =	vst v63  }
0x64: {  	_ =	swait.ge [sflag:s25], $0x1000  }
0x65: {  	[sflag:s25] =	ssyncset.done $0x0  }
0x66: {  	s31 =	simm.s32 $0x4D00;
	[sflag:s25] =	ssyncadd.s32 $0xFFFFF000  }
0x67: {  	[spmem:s2] =	stream.indirect.scatter.add.f32 [tilespmem:s22], [sflag:$0x6], $0x10, s31, s18, $0xb8;
	[tilespmem:$0x1E110] =	vst v63  }
0x68: {  	_ =	swait.ge [sflag:s26], $0x1000  }
0x69: {  	[sflag:s26] =	ssyncset.done $0x0  }
0x6a: {  	[sflag:s26] =	ssyncadd.s32 $0xFFFFF000  }
0x6b: {  	_ =	swait.ge [sflag:s28], $0x1000  }
0x6c: {  	[sflag:s28] =	ssyncset.done $0x0  }
0x6d: {  	[sflag:s28] =	ssyncadd.s32 $0xFFFFF000  }
0x6e: {  	_ =	swait.ge [sflag:s29], $0x1000  }
0x6f: {  	s17 =	simm.s32 @!p0 $0x0;
	[sflag:s29] =	ssyncset.done $0x0  }
0x70: {  	s21 =	simm.s32 @!p0 $0x4E00;
	s30 =	simm.s32 @!p0 $0x7;
	[sflag:s29] =	ssyncadd.s32 $0xFFFFF000  }
0x71: {  	[tilespmem:s21], [sflag:$0x7] =	stream.linear.gather @!p0 [hbm4b:s10+s17], $0x100, $0x38;
	[tilespmem:$0x1E110] =	vst v63  }
0x72: {  	_ =	swait.ge @!p0 [sflag:s30], $0x100  }
0x73: {  	[sflag:s30] =	ssyncset.done @!p0 $0x0  }
0x74: {  	s31 =	simm.s32 @!p0 $0x4F00;
	[sflag:s30] =	ssyncadd.s32 @!p0 $0xFFFFFF00  }
0x75: {  	[tilespmem:s31], [sflag:$0x7] =	stream.linear.gather @!p0 [hbm4b:s11+s17], $0x100, $0x38;
	[tilespmem:$0x1E110] =	vst v63  }
0x76: {  	_ =	swait.ge @!p0 [sflag:s30], $0x100  }
0x77: {  	[sflag:s30] =	ssyncset.done @!p0 $0x0  }
0x78: {  	s0 =	simm.s32 @!p0 $0x5000;
	s17 =	simm.s32 @!p0 $0x100;
	[sflag:s30] =	ssyncadd.s32 @!p0 $0xFFFFFF00  }
0x79: {  	[tilespmem:s0], [sflag:$0x7] =	stream.indirect.gather @!p0 [spmem:s3], $0x10, s21, s17, $0xb8;
	[tilespmem:$0x1E110] =	vst v63  }
0x7a: {  	_ =	swait.ge @!p0 [sflag:s30], $0x1000  }
0x7b: {  	[sflag:s30] =	ssyncset.done @!p0 $0x0  }
0x7c: {  	[sflag:s30] =	ssyncadd.s32 @!p0 $0xFFFFF000  }
0x7d: {  	[spmem:s2] =	stream.indirect.scatter.add.f32 @!p0 [tilespmem:s0], [sflag:$0x7], $0x10, s31, s17, $0xb8;
	[tilespmem:$0x1E110] =	vst v63  }
0x7e: {  	_ =	swait.ge @!p0 [sflag:s30], $0x1000  }
0x7f: {  	s1 =	sadd.s32 $0x1, s1;
	[sflag:s30] =	ssyncset.done @!p0 $0x0  }
0x80: {  	p1 =	sne.s32 s1, s13;
	[sflag:s30] =	ssyncadd.s32 @!p0 $0xFFFFF000  }
.Ltmp1:
0x81: {  	[bflag:$0x0] =	sbarrier.arrive $0xFFFF;
	(pc) =	sbr.rel @p1 .LBB2_1-.Ltmp1, $4  }
0x82: {  	[hbm:s12], [sflag:s6] =	dma.local [spmem:s14], $0x2740  }
0x83: {  	_ =	swait.ge [sflag:s15], $0x2740  }
0x84: {  	[sflag:s15] =	ssyncset.done $0x0  }
0x85: {  	[sflag:s15] =	ssyncadd.s32 $0xFFFFD8C0  }
0x86: {  	_ =	sfence.sel $0x180000  }
0x87: {  	[bflag:$0x0] =	sbarrier.arrive $0xFFFF  }
0x88: {  	_ =	strace $0x9000004A  }
0x89: {  	s0 =	stileid.u32;
	[bflag:$0x2] =	sbarrier.arrive $0xFFFF  }
0x8a: {  	p0 =	sne.s32 s0, $0x0;
	s0 =	rddreg [dreg:$0x3]  }
0x8b: {  	s0 =	sadd.s32 @!p0 $0x100000, s0  }
0x8c: {  	[sflag:s0] =	ssyncadd.tile.s32 @!p0 $0x1;
	_ =	shalt  }
.Lfunc_end2:
_tile_overlayer_lowered:
.L_overlay_start_2:
0x8d: {  	(tag) =	ssettag $0x2  }
0x8e: {  	s0 =	rddreg [dreg:$0x0];
	s2 =	stileid.u32  }
0x8f: {  	s1 =	rddreg [dreg:$0x1];
	p0 =	sne.s32 s2, $0x0  }
0x90: {  	s3 =	rddreg [dreg:$0x2];
	[bflag:$0x3] =	sbarrier.arrive $0xFFFF;
	s2 =	simm.s32 @!p0 $0x1C07  }
0x91: {  	[timem:s3], [sflag:s2] =	dma.local @!p0 [hbm:s0], s1  }
0x92: {  	s0 =	simm.s32 @!p0 $0x7  }
0x93: {  	_ =	swait.ge @!p0 [sflag:s0], s1  }
0x94: {  	s1 =	ssub.s32 @!p0 $0x0, s1;
	[sflag:s0] =	ssyncset.done @!p0 $0x0  }
0x95: {  	[sflag:s0] =	ssyncadd.s32 @!p0 s1  }
0x96: {  	[bflag:$0x3] =	sbarrier.arrive $0xFFFF  }
0x97: {  	_ =	shalt  }

// kernel: kernel.8.cloned.1.call-start
scs
__scs_entry_jumppad:
0x0: {  	(pc) =	sbr.rel $0x88, $3  }
0x1: {  	(tag) =	ssettag $0x0;
	lr =	simm.s32 $0x1  }
0x2: {  	[smem:$0x3F96] =	sst lr;
	_ =	strace $0xD0000000  }
0x3: {  	_ = 	snop  }
0x4: {  	_ = 	snop  }
0x5: {  	_ = 	snop  }
0x6: {  	_ = 	snop  }
0x7: {  	_ = 	snop  }
__scs_overlays_trampoline_lowered:
0x8: {  	[smem:$0x3FA5] =	sst s0  }
0x9: {  	[smem:$0x3FA6] =	sst s1  }
0xa: {  	[smem:$0x3FA7] =	sst s2  }
0xb: {  	[smem:$0x3FA8] =	sst s3  }
0xc: {  	[smem:$0x3FA9] =	sst s4  }
0xd: {  	[smem:$0x3FAA] =	sst s5  }
0xe: {  	[smem:$0x3FAB] =	sst s6  }
0xf: {  	[smem:$0x3FAC] =	sst s7  }
0x10: {  	[smem:$0x3FAD] =	sst s8  }
0x11: {  	[smem:$0x3FAE] =	sst s9;
	s0 =	simm.s32 @!p0 $0x0  }
0x12: {  	s1 =	sld [smem:$0x3F94];
	s0 =	simm.s32 @p0 $0x1  }
0x13: {  	[smem:$0x3FAF] =	sst s0;
	s0 =	simm.s32 @!p1 $0x0  }
0x14: {  	s2 =	sld [smem:$0x3F93];
	s0 =	simm.s32 @p1 $0x1  }
0x15: {  	[smem:$0x3FB0] =	sst s0;
	s0 =	simm.s32 @!p2 $0x0  }
0x16: {  	s3 =	sld [smem:$0x3FDB];
	s0 =	simm.s32 @p2 $0x1  }
0x17: {  	s4 =	simm.s32 $0x1BF5;
	[smem:$0x3FB2] =	sst s0  }
0x18: {  	s0 =	sld [smem:$0x3F95];
	_ =	swait.ge [sflag:s4], $0x0  }
0x19: {  	s7 =	sld [smem:$0x3F96]  }
0x1a: {  	s8 =	sadd.s32 $0xFFFFE003, lr  }
0x1b: {  	s9 =	sadd.s32 $0xFFFFFEF7, lr;
	s5 =	simm.s32 $0xFFFFFFFF;
	p2 =	slt.u32 s8, $0xFFFFF086  }
0x1c: {  	p1 =	slt.u32 s9, $0xF7A;
	s5 =	simm.s32 @!p2 $0x0  }
0x1d: {  	s5 =	simm.s32 @p1 $0x1;
	p0 =	seq.s32 s7, s2  }
0x1e: {  	s7 =	smul.u32 @!p0 $0xF7A, s2;
	p2 =	seq.s32 @!p0 s5, $0x0  }
0x1f: {  	s9 =	smul.u32 $0xF7A, s1;
	s8 =	simm.s32 @!p0 $0x1BF5;
	p2 =	por !p2, p0  }
0x20: {  	[sflag:s8] =	ssyncset.s32 @!p0 $0xFFFFF086;
	s6 =	sadd.s32 @!p0 s3, s7;
	s7 =	simm.s32 @!p0 $0x108  }
0x21: {  	s3 =	sadd.s32 s3, s9;
	s6 =	sadd.s32 @!p0 $0x88, s6;
	s7 =	simm.s32 @p2 $0x1082  }
0x22: {  	[simem:s7], [sflag:s8] =	dma.local @!p0 [hbm:s6], $0xF7A  }
0x23: {  	s9 =	sor.u32 $0xD0000000, s2;
	s6 =	simm.s32 $0x108;
	_ =	swait.ge @!p0 [sflag:s8], $0x0  }
0x24: {  	s3 =	sadd.s32 $0x88, s3;
	s6 =	simm.s32 @!p1 $0x1082;
	[sflag:s4] =	ssyncset.s32 $0xFFFFF086  }
0x25: {  	[simem:s6], [sflag:s4] =	dma.local [hbm:s3], $0xF7A  }
0x26: {  	[smem:$0x3F96] =	sst s1;
	(tag) =	ssettag s2;
	_ =	strace s9  }
0x27: {  	s1 =	sld [smem:$0x3FA6]  }
0x28: {  	s2 =	sld [smem:$0x3FA7]  }
0x29: {  	s4 =	sld [smem:$0x3FA9]  }
0x2a: {  	p0 =	seq.s32 s5, $0x0;
	s5 =	sld [smem:$0x3FAA]  }
0x2b: {  	s6 =	sld [smem:$0x3FAB]  }
0x2c: {  	s7 =	sld [smem:$0x3FAC]  }
0x2d: {  	s3 =	simm.s32 $0x108;
	s8 =	sld [smem:$0x3FAD]  }
0x2e: {  	s3 =	simm.s32 @!p0 $0x1082;
	s9 =	sld [smem:$0x3FAE]  }
0x2f: {  	lr =	sadd.s32 s0, s3;
	s0 =	sld [smem:$0x3FA5]  }
0x30: {  	s3 =	sld [smem:$0x3FA8]  }
0x31: {  	[smem:$0x3FB1] =	sst s10  }
0x32: {  	s10 =	sld [smem:$0x3FAF];
	_ =	sdelay $0x3  }
0x33: {  	p0 =	seq.s32 s10, $0x1;
	s10 =	sld [smem:$0x3FB1];
	_ =	sdelay $0x3  }
0x34: {  	[smem:$0x3FB1] =	sst s10  }
0x35: {  	s10 =	sld [smem:$0x3FB0];
	_ =	sdelay $0x3  }
0x36: {  	p1 =	seq.s32 s10, $0x1;
	s10 =	sld [smem:$0x3FB1];
	_ =	sdelay $0x3  }
0x37: {  	[smem:$0x3FB1] =	sst s10  }
0x38: {  	s10 =	sld [smem:$0x3FB2]  }
0x39: {  	_ = 	snop;
	(pc) =	sbr.ind lr, $3  }
0x3a: {  	_ = 	snop  }
0x3b: {  	_ = 	snop  }
0x3c: {  	p2 =	seq.s32 s10, $0x1;
	s10 =	sld [smem:$0x3FB1]  }
0x3d: {  	_ =	shalt  }
0x3e: {  	_ =	shalt  }
0x3f: {  	_ =	shalt  }
0x40: {  	_ =	shalt  }
0x41: {  	_ =	shalt  }
0x42: {  	_ =	shalt  }
0x43: {  	_ =	shalt  }
0x44: {  	_ =	shalt  }
0x45: {  	_ =	shalt  }
0x46: {  	_ =	shalt  }
0x47: {  	_ =	shalt  }
0x48: {  	_ =	shalt  }
0x49: {  	_ =	shalt  }
0x4a: {  	_ =	shalt  }
0x4b: {  	_ =	shalt  }
0x4c: {  	_ =	shalt  }
0x4d: {  	_ =	shalt  }
0x4e: {  	_ =	shalt  }
0x4f: {  	_ =	shalt  }
0x50: {  	_ =	shalt  }
0x51: {  	_ =	shalt  }
0x52: {  	_ =	shalt  }
0x53: {  	_ =	shalt  }
0x54: {  	_ =	shalt  }
0x55: {  	_ =	shalt  }
0x56: {  	_ =	shalt  }
0x57: {  	_ =	shalt  }
0x58: {  	_ =	shalt  }
0x59: {  	_ =	shalt  }
0x5a: {  	_ =	shalt  }
0x5b: {  	_ =	shalt  }
0x5c: {  	_ =	shalt  }
0x5d: {  	_ =	shalt  }
0x5e: {  	_ =	shalt  }
0x5f: {  	_ =	shalt  }
0x60: {  	_ =	shalt  }
0x61: {  	_ =	shalt  }
0x62: {  	_ =	shalt  }
0x63: {  	_ =	shalt  }
0x64: {  	_ =	shalt  }
0x65: {  	_ =	shalt  }
0x66: {  	_ =	shalt  }
0x67: {  	_ =	shalt  }
0x68: {  	_ =	shalt  }
0x69: {  	_ =	shalt  }
0x6a: {  	_ =	shalt  }
0x6b: {  	_ =	shalt  }
0x6c: {  	_ =	shalt  }
0x6d: {  	_ =	shalt  }
0x6e: {  	_ =	shalt  }
0x6f: {  	_ =	shalt  }
0x70: {  	_ =	shalt  }
0x71: {  	_ =	shalt  }
0x72: {  	_ =	shalt  }
0x73: {  	_ =	shalt  }
0x74: {  	_ =	shalt  }
0x75: {  	_ =	shalt  }
0x76: {  	_ =	shalt  }
0x77: {  	_ =	shalt  }
0x78: {  	_ =	shalt  }
0x79: {  	_ =	shalt  }
0x7a: {  	_ =	shalt  }
0x7b: {  	_ =	shalt  }
0x7c: {  	_ =	shalt  }
0x7d: {  	_ =	shalt  }
0x7e: {  	_ =	shalt  }
0x7f: {  	_ =	shalt  }
0x80: {  	_ =	shalt  }
0x81: {  	_ =	shalt  }
0x82: {  	_ =	shalt  }
0x83: {  	_ =	shalt  }
0x84: {  	_ =	shalt  }
0x85: {  	_ =	shalt  }
0x86: {  	_ =	shalt  }
0x87: {  	_ =	shalt  }
.Lfunc_end0:
.L_simem_size_0:
called_computation_lowered:
.L_overlay_start_0:
0x88: {  	s2 =	sld [smem:$0x3FD9]  }
0x89: {  	s3 =	sld [smem:$0x3FFE];
	_ =	sdelay $0x1  }
0x8a: {  	s1 =	srdreg.scid  }
0x8b: {  	s0 =	sand.u32 $0x1, s1  }
0x8c: {  	s17 =	sshll.u32 s0, $0xA;
	s2 =	sadd.s32 s3, s2  }
0x8d: {  	s2 =	sadd.s32 s2, s17  }
0x8e: {  	[smem:$0x3FBD] =	sst s2  }
0x8f: {  	_ = 	snop  }
0x90: {  	s2 =	sld [smem:$0x3FD0];
	(tm) =	ssettm $0x1  }
0x91: {  	s18 =	sld [smem:$0x3FFB];
	_ =	sdelay $0x3  }
0x92: {  	_ =	strace s18  }
0x93: {  	s3 =	sld [smem:$0x3FFC];
	_ =	sdelay $0x3  }
0x94: {  	_ =	strace s3  }
0x95: {  	s3 =	sld [smem:$0x3FFD];
	_ =	sdelay $0x3  }
0x96: {  	_ =	strace s3  }
0x97: {  	_ =	strace $0x8FFFFFFF  }
0x98: {  	s19 =	sld [smem:$0x3FDB];
	_ =	sdelay $0x1  }
0x99: {  	s4 =	simm.s32 $_scs_section_size  }
0x9a: {  	s5 =	simm.s32 $_size__tile_overlayer_lowered;
	s6 =	simm.s32 $_tile_overlayer_lowered  }
0x9b: {  	s22 =	simm.s32 $0x1BFF;
	s21 =	sshll.u32 s6, $0x1;
	s3 =	sadd.s32 s4, s19  }
0x9c: {  	s7 =	simm.s32 $0x0;
	s20 =	sshll.u32 s5, $0x1;
	s5 =	sadd.s32 s21, s3  }
0x9d: {  	[timem:s7], [sflag:s22] =	dma.local [hbm:s5], s20  }
0x9e: {  	_ =	swait.ge [sflag:s22], s20  }
0x9f: {  	s4 =	ssub.s32 $0x0, s20;
	[sflag:s22] =	ssyncset.done $0x0  }
0xa0: {  	[sflag:s22] =	ssyncadd.s32 s4;
	_ =	sdelay $0x1  }
0xa1: {  	s23 =	simm.s32 $0x1B8B  }
0xa2: {  	_ =	swait.ge [sflag:s23], $0x1  }
0xa3: {  	[sflag:s23] =	ssyncset.done $0x0  }
0xa4: {  	s25 =	simm.s32 $0x1B8E;
	s24 =	sld [smem:$0x3FFE];
	[sflag:s23] =	ssyncadd.s32 $0xFFFFFFFF  }
0xa5: {  	s26 =	simm.s32 $execute0_lowered;
	[smem:$0x3FD2] =	sst s25  }
0xa6: {  	s5 =	sshll.u32 s26, $0x1;
	_ =	strace $0x80000046;
	[dreg:$0x1] =	wrdreg $0xFFFFFFFF  }
0xa7: {  	s28 =	simm.s32 $_size_execute0_lowered;
	s3 =	sadd.s32 s3, s5;
	[dreg:$0x0] =	wrdreg $0x0  }
0xa8: {  	s5 =	sshll.u32 s28, $0x1;
	[dreg:$0x2] =	wrdreg s3  }
0xa9: {  	[dreg:$0x3] =	wrdreg s5  }
0xaa: {  	[dreg:$0x4] =	wrdreg $0xC0  }
0xab: {  	_ =	task [dreg:s7], $0x5FFFF  }
0xac: {  	[dreg:$0x1] =	wrdreg $0xFFFFFFFF  }
0xad: {  	[dreg:$0x0] =	wrdreg $0x60  }
0xae: {  	[dreg:$0x2] =	wrdreg s24  }
0xaf: {  	[dreg:$0x3] =	wrdreg s2  }
0xb0: {  	[dreg:$0x4] =	wrdreg $0x80000  }
0xb1: {  	[dreg:$0x5] =	wrdreg $0x1BB000  }
0xb2: {  	[dreg:$0x6] =	wrdreg $0x9  }
0xb3: {  	_ =	task.clear_ibuf [dreg:s7], $0x7FFFF;
	_ =	strace $0x90000046  }
0xb4: {  	s29 =	simm.s32 $0x9;
	_ =	strace $0x80000048  }
0xb5: {  	_ =	swait.ge [sflag:s29], $0x1  }
0xb6: {  	[sflag:s29] =	ssyncadd.s32 $0xFFFFFFFF  }
0xb7: {  	_ =	strace $0x90000048  }
0xb8: {  	_ =	sfence  }
0xb9: {  	s30 =	sld [smem:$0x0];
	_ =	sdelay $0x2  }
0xba: {  	s31 =	sshll.u32 s1, $0xD;
	s1 =	sshrl.u32 s1, $0x2  }
0xbb: {  	s3 =	sand.u32 $0x4000, s31;
	s1 =	sadd.s32 s1, s30  }
0xbc: {  	s0 =	sor.u32 s3, s0;
	s1 =	sshll.u32 s1, $0x11  }
0xbd: {  	s0 =	sor.u32 s1, s0  }
0xbe: {  	s0 =	sadd.s32 $0x8F2B, s0  }
0xbf: {  	[sflag:s0] =	ssyncadd.remote.s32 $0x1  }
0xc0: {  	_ =	sfence.sel $0xFFFF  }
0xc1: {  	[dreg:$0x0] =	wrdreg $0xFFFFFFFF;
	(pc) =	sbr.abs _section_cstart, $3  }
0xc2: {  	[dreg:$0x1] =	wrdreg $0xFFFFFFFF  }
0xc3: {  	_ =	task.clear_ibuf [dreg:s7], $0x2FFFF;
	_ =	strace $0x9FFFFFFF  }
0xc4: {  	(tm) =	ssettm $0x7FFFFFFF  }
0xc5: {  	_ =	shalt  }
tec
execute0_lowered:
.L_overlay_start_1:
0x0: {  	(tag) =	ssettag $0x1  }
0x1: {  	s0 =	rddreg [dreg:$0x0]  }
0x2: {  	s1 =	rddreg [dreg:$0x1]  }
0x3: {  	s2 =	rddreg [dreg:$0x2]  }
0x4: {  	s3 =	rddreg [dreg:$0x3]  }
0x5: {  	s5 =	srdreg.scid;
	s14 =	stileid.u32;
	s4 =	simm.s32 $0x0  }
0x6: {  	s28 =	simm.s32 $0x2;
	s29 =	simm.s32 $0x3;
	s30 =	simm.s32 $0x4  }
0x7: {  	s31 =	simm.s32 $0x5;
	s6 =	sand.u32 $0x1, s5;
	s7 =	smul.u32 $0x13A00, s14  }
0x8: {  	[smem:$0x7FF] =	sst s4;
	s5 =	sadd.s32 $0x13C00, s0;
	s9 =	smul.u32 $0x13A0, s14  }
0x9: {  	s12 =	sadd.s32 $0x9E00, s0;
	s11 =	sadd.s32 $0x3AE00, s0;
	s16 =	sadd.s32 $0x3D600, s0  }
0xa: {  	s20 =	sshll.u32 s14, $0x6;
	s22 =	sshll.u32 s14, $0x5;
	s8 =	smul.u32 $0x13A000, s6  }
0xb: {  	_ =	strace $0x80000047;
	s10 =	smul.u32 $0x13A00, s6;
	[dreg:$0x5] =	wrdreg s11  }
0xc: {  	[dreg:$0x6] =	wrdreg s16;
	s18 =	ssub.s32 $0x2, s6;
	s6 =	sshll.u32 s6, $0x4  }
0xd: {  	s24 =	sor.u32 $0x9C00, s22;
	s22 =	simm.s32 $0x6000;
	s19 =	sshrl.u32 s18, $0x1  }
0xe: {  	s6 =	sor.u32 s14, s6;
	s25 =	sadd.s32 s12, s24;
	s8 =	sadd.s32 s7, s8  }
0xf: {  	s17 =	sadd.s32 s9, s10;
	s15 =	ssub.s32 s18, s19;
	s7 =	sadd.s32 s7, s2  }
0x10: {  	s21 =	smul.u32 $0x4E0, s6;
	s9 =	sadd.s32 s9, s3;
	[dreg:$0xa] =	wrdreg s25  }
0x11: {  	p0 =	sgt.u32 s6, $0x1;
	s25 =	simm.s32 $0x1;
	s19 =	simm.s32 $0x4B00  }
0x12: {  	s6 =	simm.s32 $0x4D00;
	s8 =	sshrl.u32 s8, $0x3;
	s15 =	smax.u32 s15, $0x1  }
0x13: {  	s16 =	sshrl.u32 s7, $0x3;
	s18 =	sshrl.u32 s9, $0x3;
	s7 =	simm.s32 $0x0  }
0x14: {  	s13 =	sadd.s32 s8, s0;
	s8 =	sshrl.u32 s17, $0x3;
	s23 =	sadd.s32 s1, s21  }
0x15: {  	s10 =	sadd.s32 s12, s21;
	s1 =	sadd.s32 s1, s24;
	s17 =	simm.s32 $0x8  }
0x16: {  	s21 =	simm.s32 $0x5000;
	s24 =	simm.s32 $0x7000;
	[dreg:$0x7] =	wrdreg s23  }
0x17: {  	s0 =	sadd.s32 s8, s0;
	s8 =	sor.u32 $0x1C08, s20;
	[dreg:$0x8] =	wrdreg s10  }
0x18: {  	[dreg:$0x9] =	wrdreg s1;
	s26 =	sadd.s32 $0x42A00, s13;
	s20 =	simm.s32 $0x100  }
0x19: {  	s1 =	simm.s32 $0x7;
	s23 =	simm.s32 $0x4C00;
	[dreg:$0xb] =	wrdreg s26  }
0x1a: {  	v0 =	vimm.f32 $1.000000000e+00;
	s14 =	sadd.s32 $0x3DA00, s0;
	s26 =	simm.s32 $0x1BA00;
	s0 =	simm.s32 $0x6  }
.LBB2_1:
0x1b: {  	s9 =	rddreg [dreg:$0x5]  }
0x1c: {  	[spmem:s16], [sflag:s8] =	dma.local [hbm:s9], $0x2740  }
0x1d: {  	_ =	swait.ge [sflag:s17], $0x2740  }
0x1e: {  	[sflag:s17] =	ssyncset.done $0x0  }
0x1f: {  	s11 =	rddreg [dreg:$0x6];
	[sflag:s17] =	ssyncadd.s32 $0xFFFFD8C0  }
0x20: {  	[spmem:s18], [sflag:s8] =	dma.local [hbm:s11], $0x274  }
0x21: {  	_ =	swait.ge [sflag:s17], $0x274  }
0x22: {  	[sflag:s17] =	ssyncset.done $0x0  }
0x23: {  	[sflag:s17] =	ssyncadd.s32 $0xFFFFFD8C  }
0x24: {  	[tilespmem:$0x1BA00] =	vst v0  }
0x25: {  	[tilespmem:$0x1BA10] =	vst v0  }
0x26: {  	[tilespmem:$0x1BA20] =	vst v0  }
0x27: {  	[tilespmem:$0x1BA30] =	vst v0  }
0x28: {  	[tilespmem:$0x1BA40] =	vst v0  }
0x29: {  	[tilespmem:$0x1BA50] =	vst v0  }
0x2a: {  	[tilespmem:$0x1BA60] =	vst v0  }
0x2b: {  	[tilespmem:$0x1BA70] =	vst v0  }
0x2c: {  	[tilespmem:$0x1BA80] =	vst v0  }
0x2d: {  	[tilespmem:$0x1BA90] =	vst v0  }
0x2e: {  	[tilespmem:$0x1BAA0] =	vst v0  }
0x2f: {  	[tilespmem:$0x1BAB0] =	vst v0  }
0x30: {  	[tilespmem:$0x1BAC0] =	vst v0  }
0x31: {  	[tilespmem:$0x1BAD0] =	vst v0  }
0x32: {  	[tilespmem:$0x1BAE0] =	vst v0  }
0x33: {  	[tilespmem:$0x1BAF0] =	vst v0  }
0x34: {  	[bflag:$0x0] =	sbarrier.arrive $0xFFFF  }
0x35: {  	s12 =	rddreg [dreg:$0x7]  }
0x36: {  	[tilespmem:s4], [sflag:$0x8] =	stream.linear.gather [hbm4b:s12+s4], $0x2700, $0x38;
	[tilespmem:$0x1CEA0] =	vst v63  }
0x37: {  	_ =	swait.ge [sflag:s17], $0x2700  }
0x38: {  	[sflag:s17] =	ssyncset.done $0x0  }
0x39: {  	s10 =	simm.s32 $0x2700;
	s13 =	rddreg [dreg:$0x8];
	[sflag:s17] =	ssyncadd.s32 $0xFFFFD900  }
0x3a: {  	[tilespmem:s10], [sflag:$0x8] =	stream.linear.gather [hbm4b:s13+s4], $0x2700, $0x38;
	[tilespmem:$0x1CEA0] =	vst v63  }
0x3b: {  	_ =	swait.ge [sflag:s17], $0x2700  }
0x3c: {  	[sflag:s17] =	ssyncset.done $0x0  }
0x3d: {  	[sflag:s17] =	ssyncadd.s32 $0xFFFFD900  }
0x3e: {  	[tilespmem:s21], [sflag:$0x1] =	stream.indirect.gather [hbm4b:s5+s20], $0x10, s4, s20, $0xb8;
	[tilespmem:$0x1CEA0] =	vst v63  }
0x3f: {  	_ = 	snop  }
0x40: {  	[tilespmem:s22], [sflag:$0x2] =	stream.indirect.gather [hbm4b:s5+s20], $0x10, s20, s20, $0xb8;
	[tilespmem:$0x1CEA0] =	vst v63  }
0x41: {  	s11 =	simm.s32 $0x200  }
0x42: {  	[tilespmem:s24], [sflag:$0x3] =	stream.indirect.gather [hbm4b:s5+s20], $0x10, s11, s20, $0xb8;
	[tilespmem:$0x1CEA0] =	vst v63  }
0x43: {  	_ =	swait.ge [sflag:s25], $0x1000  }
0x44: {  	[sflag:s25] =	ssyncset.done $0x0  }
0x45: {  	s12 =	simm.s32 $0x2700;
	[sflag:s25] =	ssyncadd.s32 $0xFFFFF000  }
0x46: {  	[spmem:s2] =	stream.indirect.scatter.add.f32 [tilespmem:s21], [sflag:$0x4], $0x10, s12, s20, $0xb8;
	[tilespmem:$0x1CEA0] =	vst v63  }
0x47: {  	_ = 	snop  }
0x48: {  	[spmem:s3] =	stream.indirect.scatter.add.f32 [tilespmem:s26], [sflag:$0x7], $0x1, s12, s20, $0xb8;
	[tilespmem:$0x1CEA0] =	vst v63  }
0x49: {  	_ =	swait.ge [sflag:s28], $0x1000  }
0x4a: {  	[sflag:s28] =	ssyncset.done $0x0  }
0x4b: {  	s13 =	simm.s32 $0x2800;
	[sflag:s28] =	ssyncadd.s32 $0xFFFFF000  }
0x4c: {  	[spmem:s2] =	stream.indirect.scatter.add.f32 [tilespmem:s22], [sflag:$0x5], $0x10, s13, s20, $0xb8;
	[tilespmem:$0x1CEA0] =	vst v63  }
0x4d: {  	_ = 	snop  }
0x4e: {  	[spmem:s3] =	stream.indirect.scatter.add.f32 [tilespmem:s26], [sflag:$0x7], $0x1, s13, s20, $0xb8;
	[tilespmem:$0x1CEA0] =	vst v63  }
0x4f: {  	_ =	swait.ge [sflag:s29], $0x1000  }
0x50: {  	[sflag:s29] =	ssyncset.done $0x0  }
0x51: {  	s10 =	simm.s32 $0x2900;
	[sflag:s29] =	ssyncadd.s32 $0xFFFFF000  }
0x52: {  	[spmem:s2] =	stream.indirect.scatter.add.f32 [tilespmem:s24], [sflag:$0x6], $0x10, s10, s20, $0xb8;
	[tilespmem:$0x1CEA0] =	vst v63  }
0x53: {  	_ = 	snop  }
0x54: {  	[spmem:s3] =	stream.indirect.scatter.add.f32 [tilespmem:s26], [sflag:$0x7], $0x1, s10, s20, $0xb8;
	[tilespmem:$0x1CEA0] =	vst v63  }
0x55: {  	_ =	swait.ge [sflag:s30], $0x1000  }
0x56: {  	[sflag:s30] =	ssyncset.done $0x0  }
0x57: {  	s11 =	simm.s32 $0x300;
	[sflag:s30] =	ssyncadd.s32 $0xFFFFF000  }
0x58: {  	[tilespmem:s21], [sflag:$0x1] =	stream.indirect.gather [hbm4b:s5+s20], $0x10, s11, s20, $0xb8;
	[tilespmem:$0x1CEA0] =	vst v63  }
0x59: {  	_ =	swait.ge [sflag:s31], $0x1000  }
0x5a: {  	[sflag:s31] =	ssyncset.done $0x0  }
0x5b: {  	s12 =	simm.s32 $0x400;
	[sflag:s31] =	ssyncadd.s32 $0xFFFFF000  }
0x5c: {  	[tilespmem:s22], [sflag:$0x2] =	stream.indirect.gather [hbm4b:s5+s20], $0x10, s12, s20, $0xb8;
	[tilespmem:$0x1CEA0] =	vst v63  }
0x5d: {  	_ =	swait.ge [sflag:s0], $0x1000  }
0x5e: {  	[sflag:s0] =	ssyncset.done $0x0  }
0x5f: {  	s13 =	simm.s32 $0x500;
	[sflag:s0] =	ssyncadd.s32 $0xFFFFF000  }
0x60: {  	[tilespmem:s24], [sflag:$0x3] =	stream.indirect.gather [hbm4b:s5+s20], $0x10, s13, s20, $0xb8;
	[tilespmem:$0x1CEA0] =	vst v63  }
0x61: {  	_ =	swait.ge [sflag:s1], $0x100  }
0x62: {  	[sflag:s1] =	ssyncset.done $0x0  }
0x63: {  	[sflag:s1] =	ssyncadd.s32 $0xFFFFFF00  }
0x64: {  	_ =	swait.ge [sflag:s1], $0x100  }
0x65: {  	[sflag:s1] =	ssyncset.done $0x0  }
0x66: {  	[sflag:s1] =	ssyncadd.s32 $0xFFFFFF00  }
0x67: {  	_ =	swait.ge [sflag:s1], $0x100  }
0x68: {  	s9 =	simm.s32 $0xC00;
	[sflag:s1] =	ssyncset.done $0x0  }
.LBB2_2:
0x69: {  	p1 =	sne.s32 s9, $0x8400  }
0x6a: {  	[sflag:s1] =	ssyncadd.s32 $0xFFFFFF00;
	s10 =	smov.u32 s9;
	s9 =	sadd.s32 $0xC00, s9  }
0x6b: {  	_ =	swait.ge [sflag:s25], $0x1000  }
0x6c: {  	s10 =	sshra.s32 s10, $0x2;
	[sflag:s25] =	ssyncset.done $0x0  }
0x6d: {  	s11 =	sadd.s32 $0x2700, s10;
	[sflag:s25] =	ssyncadd.s32 $0xFFFFF000  }
0x6e: {  	[spmem:s2] =	stream.indirect.scatter.add.f32 [tilespmem:s21], [sflag:$0x4], $0x10, s11, s20, $0xb8;
	[tilespmem:$0x1CEA0] =	vst v63  }
0x6f: {  	_ = 	snop  }
0x70: {  	[spmem:s3] =	stream.indirect.scatter.add.f32 [tilespmem:s26], [sflag:$0x7], $0x1, s11, s20, $0xb8;
	[tilespmem:$0x1CEA0] =	vst v63  }
0x71: {  	_ =	swait.ge [sflag:s28], $0x1000  }
0x72: {  	[sflag:s28] =	ssyncset.done $0x0  }
0x73: {  	s11 =	sadd.s32 $0x2800, s10;
	[sflag:s28] =	ssyncadd.s32 $0xFFFFF000  }
0x74: {  	[spmem:s2] =	stream.indirect.scatter.add.f32 [tilespmem:s22], [sflag:$0x5], $0x10, s11, s20, $0xb8;
	[tilespmem:$0x1CEA0] =	vst v63  }
0x75: {  	_ = 	snop  }
0x76: {  	[spmem:s3] =	stream.indirect.scatter.add.f32 [tilespmem:s26], [sflag:$0x7], $0x1, s11, s20, $0xb8;
	[tilespmem:$0x1CEA0] =	vst v63  }
0x77: {  	_ =	swait.ge [sflag:s29], $0x1000  }
0x78: {  	[sflag:s29] =	ssyncset.done $0x0  }
0x79: {  	s11 =	sadd.s32 $0x2900, s10;
	[sflag:s29] =	ssyncadd.s32 $0xFFFFF000  }
0x7a: {  	[spmem:s2] =	stream.indirect.scatter.add.f32 [tilespmem:s24], [sflag:$0x6], $0x10, s11, s20, $0xb8;
	[tilespmem:$0x1CEA0] =	vst v63  }
0x7b: {  	_ = 	snop  }
0x7c: {  	[spmem:s3] =	stream.indirect.scatter.add.f32 [tilespmem:s26], [sflag:$0x7], $0x1, s11, s20, $0xb8;
	[tilespmem:$0x1CEA0] =	vst v63  }
0x7d: {  	_ =	swait.ge [sflag:s30], $0x1000  }
0x7e: {  	[sflag:s30] =	ssyncset.done $0x0  }
0x7f: {  	s11 =	sadd.s32 $0x300, s10;
	[sflag:s30] =	ssyncadd.s32 $0xFFFFF000  }
0x80: {  	[tilespmem:s21], [sflag:$0x1] =	stream.indirect.gather [hbm4b:s5+s20], $0x10, s11, s20, $0xb8;
	[tilespmem:$0x1CEA0] =	vst v63  }
0x81: {  	_ =	swait.ge [sflag:s31], $0x1000  }
0x82: {  	[sflag:s31] =	ssyncset.done $0x0  }
0x83: {  	s11 =	sadd.s32 $0x400, s10;
	[sflag:s31] =	ssyncadd.s32 $0xFFFFF000  }
0x84: {  	[tilespmem:s22], [sflag:$0x2] =	stream.indirect.gather [hbm4b:s5+s20], $0x10, s11, s20, $0xb8;
	[tilespmem:$0x1CEA0] =	vst v63  }
0x85: {  	_ =	swait.ge [sflag:s0], $0x1000  }
0x86: {  	[sflag:s0] =	ssyncset.done $0x0  }
0x87: {  	s10 =	sadd.s32 $0x500, s10;
	[sflag:s0] =	ssyncadd.s32 $0xFFFFF000  }
0x88: {  	[tilespmem:s24], [sflag:$0x3] =	stream.indirect.gather [hbm4b:s5+s20], $0x10, s10, s20, $0xb8;
	[tilespmem:$0x1CEA0] =	vst v63  }
0x89: {  	_ =	swait.ge [sflag:s1], $0x100  }
0x8a: {  	[sflag:s1] =	ssyncset.done $0x0  }
0x8b: {  	[sflag:s1] =	ssyncadd.s32 $0xFFFFFF00  }
.Ltmp0:
0x8c: {  	_ =	swait.ge [sflag:s1], $0x100;
	(pc) =	sbr.rel @p1 .LBB2_2-.Ltmp0, $4  }
0x8d: {  	[sflag:s1] =	ssyncset.done $0x0  }
0x8e: {  	[sflag:s1] =	ssyncadd.s32 $0xFFFFFF00  }
0x8f: {  	_ =	swait.ge [sflag:s1], $0x100  }
0x90: {  	[sflag:s1] =	ssyncset.done $0x0  }
0x91: {  	[sflag:s1] =	ssyncadd.s32 $0xFFFFFF00  }
0x92: {  	_ =	swait.ge [sflag:s25], $0x1000  }
0x93: {  	[sflag:s25] =	ssyncset.done $0x0  }
0x94: {  	[sflag:s25] =	ssyncadd.s32 $0xFFFFF000  }
0x95: {  	[spmem:s2] =	stream.indirect.scatter.add.f32 [tilespmem:s21], [sflag:$0x4], $0x10, s19, s20, $0xb8;
	[tilespmem:$0x1CEA0] =	vst v63  }
0x96: {  	_ = 	snop  }
0x97: {  	[spmem:s3] =	stream.indirect.scatter.add.f32 [tilespmem:s26], [sflag:$0x7], $0x1, s19, s20, $0xb8;
	[tilespmem:$0x1CEA0] =	vst v63  }
0x98: {  	_ =	swait.ge [sflag:s28], $0x1000  }
0x99: {  	[sflag:s28] =	ssyncset.done $0x0  }
0x9a: {  	[sflag:s28] =	ssyncadd.s32 $0xFFFFF000  }
0x9b: {  	[spmem:s2] =	stream.indirect.scatter.add.f32 [tilespmem:s22], [sflag:$0x5], $0x10, s23, s20, $0xb8;
	[tilespmem:$0x1CEA0] =	vst v63  }
0x9c: {  	_ = 	snop  }
0x9d: {  	[spmem:s3] =	stream.indirect.scatter.add.f32 [tilespmem:s26], [sflag:$0x7], $0x1, s23, s20, $0xb8;
	[tilespmem:$0x1CEA0] =	vst v63  }
0x9e: {  	_ =	swait.ge [sflag:s29], $0x1000  }
0x9f: {  	[sflag:s29] =	ssyncset.done $0x0  }
0xa0: {  	[sflag:s29] =	ssyncadd.s32 $0xFFFFF000  }
0xa1: {  	[spmem:s2] =	stream.indirect.scatter.add.f32 [tilespmem:s24], [sflag:$0x6], $0x10, s6, s20, $0xb8;
	[tilespmem:$0x1CEA0] =	vst v63  }
0xa2: {  	_ = 	snop  }
0xa3: {  	[spmem:s3] =	stream.indirect.scatter.add.f32 [tilespmem:s26], [sflag:$0x7], $0x1, s6, s20, $0xb8;
	[tilespmem:$0x1CEA0] =	vst v63  }
0xa4: {  	_ =	swait.ge [sflag:s30], $0x1000  }
0xa5: {  	[sflag:s30] =	ssyncset.done $0x0  }
0xa6: {  	[sflag:s30] =	ssyncadd.s32 $0xFFFFF000  }
0xa7: {  	_ =	swait.ge [sflag:s31], $0x1000  }
0xa8: {  	[sflag:s31] =	ssyncset.done $0x0  }
0xa9: {  	[sflag:s31] =	ssyncadd.s32 $0xFFFFF000  }
0xaa: {  	_ =	swait.ge [sflag:s0], $0x1000  }
0xab: {  	[sflag:s0] =	ssyncset.done $0x0  }
0xac: {  	[sflag:s0] =	ssyncadd.s32 $0xFFFFF000  }
0xad: {  	_ =	swait.ge [sflag:s1], $0x100  }
0xae: {  	[sflag:s1] =	ssyncset.done $0x0  }
0xaf: {  	[sflag:s1] =	ssyncadd.s32 $0xFFFFFF00  }
0xb0: {  	_ =	swait.ge [sflag:s1], $0x100  }
0xb1: {  	[sflag:s1] =	ssyncset.done $0x0  }
0xb2: {  	[sflag:s1] =	ssyncadd.s32 $0xFFFFFF00  }
0xb3: {  	_ =	swait.ge [sflag:s1], $0x100  }
0xb4: {  	s9 =	simm.s32 @!p0 $0x0;
	[sflag:s1] =	ssyncset.done $0x0  }
0xb5: {  	s10 =	simm.s32 @!p0 $0x4E00;
	s11 =	rddreg [dreg:$0x9];
	[sflag:s1] =	ssyncadd.s32 $0xFFFFFF00  }
0xb6: {  	[tilespmem:s10], [sflag:$0x8] =	stream.linear.gather @!p0 [hbm4b:s11+s9], $0x100, $0x38;
	[tilespmem:$0x1CEA0] =	vst v63  }
0xb7: {  	s11 =	simm.s32 @!p0 $0x8  }
0xb8: {  	_ =	swait.ge @!p0 [sflag:s11], $0x100  }
0xb9: {  	[sflag:s11] =	ssyncset.done @!p0 $0x0  }
0xba: {  	s12 =	simm.s32 @!p0 $0x4F00;
	s13 =	rddreg [dreg:$0xa];
	[sflag:s11] =	ssyncadd.s32 @!p0 $0xFFFFFF00  }
0xbb: {  	[tilespmem:s12], [sflag:$0x8] =	stream.linear.gather @!p0 [hbm4b:s13+s9], $0x100, $0x38;
	[tilespmem:$0x1CEA0] =	vst v63  }
0xbc: {  	_ =	swait.ge @!p0 [sflag:s11], $0x100  }
0xbd: {  	[sflag:s11] =	ssyncset.done @!p0 $0x0  }
0xbe: {  	s9 =	simm.s32 @!p0 $0x100;
	s13 =	simm.s32 @!p0 $0x5000;
	[sflag:s11] =	ssyncadd.s32 @!p0 $0xFFFFFF00  }
0xbf: {  	[tilespmem:s13], [sflag:$0x8] =	stream.indirect.gather @!p0 [hbm4b:s5+s9], $0x10, s10, s9, $0xb8;
	[tilespmem:$0x1CEA0] =	vst v63  }
0xc0: {  	_ =	swait.ge @!p0 [sflag:s11], $0x1000  }
0xc1: {  	[sflag:s11] =	ssyncset.done @!p0 $0x0  }
0xc2: {  	[sflag:s11] =	ssyncadd.s32 @!p0 $0xFFFFF000  }
0xc3: {  	[spmem:s2] =	stream.indirect.scatter.add.f32 @!p0 [tilespmem:s13], [sflag:$0x8], $0x10, s12, s9, $0xb8;
	[tilespmem:$0x1CEA0] =	vst v63  }
0xc4: {  	_ =	swait.ge @!p0 [sflag:s11], $0x1000  }
0xc5: {  	[sflag:s11] =	ssyncset.done @!p0 $0x0  }
0xc6: {  	s10 =	simm.s32 @!p0 $0x1BA00;
	[sflag:s11] =	ssyncadd.s32 @!p0 $0xFFFFF000  }
0xc7: {  	[spmem:s3] =	stream.indirect.scatter.add.f32 @!p0 [tilespmem:s10], [sflag:$0x8], $0x1, s12, s9, $0xb8;
	[tilespmem:$0x1CEA0] =	vst v63  }
0xc8: {  	_ =	swait.ge @!p0 [sflag:s11], $0x100  }
0xc9: {  	[sflag:s11] =	ssyncset.done @!p0 $0x0  }
0xca: {  	[sflag:s11] =	ssyncadd.s32 @!p0 $0xFFFFFF00  }
0xcb: {  	[bflag:$0x0] =	sbarrier.arrive $0xFFFF  }
0xcc: {  	s13 =	rddreg [dreg:$0xb]  }
0xcd: {  	[hbm:s13], [sflag:s8] =	dma.local [spmem:s16], $0x2740  }
0xce: {  	s7 =	sadd.s32 $0x1, s7;
	_ =	swait.ge [sflag:s17], $0x2740  }
0xcf: {  	p1 =	sne.s32 s7, s15;
	[sflag:s17] =	ssyncset.done $0x0  }
.Ltmp1:
0xd0: {  	[sflag:s17] =	ssyncadd.s32 $0xFFFFD8C0;
	(pc) =	sbr.rel @p1 .LBB2_1-.Ltmp1, $4  }
0xd1: {  	[hbm:s14], [sflag:s8] =	dma.local [spmem:s18], $0x274  }
0xd2: {  	_ =	swait.ge [sflag:s17], $0x274  }
0xd3: {  	[sflag:s17] =	ssyncset.done $0x0  }
0xd4: {  	[sflag:s17] =	ssyncadd.s32 $0xFFFFFD8C  }
0xd5: {  	_ =	sfence.sel $0x180000  }
0xd6: {  	[bflag:$0x0] =	sbarrier.arrive $0xFFFF  }
0xd7: {  	_ =	strace $0x90000047  }
0xd8: {  	s0 =	stileid.u32;
	[bflag:$0x2] =	sbarrier.arrive $0xFFFF  }
0xd9: {  	p0 =	sne.s32 s0, $0x0;
	s0 =	rddreg [dreg:$0x4]  }
0xda: {  	s0 =	sadd.s32 @!p0 $0x100000, s0  }
0xdb: {  	[sflag:s0] =	ssyncadd.tile.s32 @!p0 $0x1;
	_ =	shalt  }
.Lfunc_end2:
_tile_overlayer_lowered:
.L_overlay_start_2:
0xdc: {  	(tag) =	ssettag $0x2  }
0xdd: {  	s0 =	rddreg [dreg:$0x0];
	s2 =	stileid.u32  }
0xde: {  	s1 =	rddreg [dreg:$0x1];
	p0 =	sne.s32 s2, $0x0  }
0xdf: {  	s3 =	rddreg [dreg:$0x2];
	[bflag:$0x3] =	sbarrier.arrive $0xFFFF;
	s2 =	simm.s32 @!p0 $0x1C08  }
0xe0: {  	[timem:s3], [sflag:s2] =	dma.local @!p0 [hbm:s0], s1  }
0xe1: {  	s0 =	simm.s32 @!p0 $0x8  }
0xe2: {  	_ =	swait.ge @!p0 [sflag:s0], s1  }
0xe3: {  	s1 =	ssub.s32 @!p0 $0x0, s1;
	[sflag:s0] =	ssyncset.done @!p0 $0x0  }
0xe4: {  	[sflag:s0] =	ssyncadd.s32 @!p0 s1  }
0xe5: {  	[bflag:$0x3] =	sbarrier.arrive $0xFFFF  }
0xe6: {  	_ =	shalt  }

</sc_bundles>
